<compile_context>
chip_gen: v7x
topology: tpu7x:2x2x1
jax: 0.10.2.dev20260603
libtpu: 0.0.44.dev20260713+nightly
codegen_flags: <defaults>
</compile_context>

<pallas_src>
import functools

import jax
import jax.numpy as jnp
from jax import lax
from jax.experimental import pallas as pl
from jax.experimental.pallas import tpu as pltpu
from jax.experimental.pallas import tpu_sc as plsc

VOCAB = 100000
D = 128
B = 4096
L = 200
N = B * L
NC = 2
NS = 16
NW = NC * NS
PER_W = N // NW
BATCH_PER_W = B // NW
C = 128
NB = 5
CHUNKS = PER_W // C
assert CHUNKS % NB == 0
GROUPS = CHUNKS // NB
PAD_ROW = VOCAB
NPAD = 8192


def _body(table_h, ids_h, len_h, out_h, ids_v, len_v, rows_v, *sems):
    gsems = sems[:NB]
    wsems = sems[NB:]
    wid = lax.axis_index("s") * NC + lax.axis_index("c")
    base = wid * PER_W

    pltpu.sync_copy(ids_h.at[pl.ds(base, PER_W)], ids_v)
    pltpu.sync_copy(len_h.at[pl.ds(wid * BATCH_PER_W, BATCH_PER_W)], len_v)

    def mask_body(i, carry):
        lane = lax.iota(jnp.int32, 16)
        off = i * 16
        pos = off + lane
        b_local = lax.shift_right_logical(pos * 10486, 21)
        l = pos - b_local * L
        b0 = jnp.minimum(lax.shift_right_logical(off * 10486, 21), BATCH_PER_W - 16)
        lens16 = len_v[pl.ds(b0, 16)]
        lens = lax.gather(
            lens16,
            (b_local - b0)[:, None],
            lax.GatherDimensionNumbers(
                offset_dims=(), collapsed_slice_dims=(0,), start_index_map=(0,)
            ),
            (1,),
            mode=lax.GatherScatterMode.PROMISE_IN_BOUNDS,
        )
        pad_idx = PAD_ROW + jnp.bitwise_and(pos + base, NPAD - 1)
        m = jnp.maximum(0, jnp.minimum(1, lens - l))
        raw = ids_v[pl.ds(off, 16)]
        ids_v[pl.ds(off, 16)] = pad_idx + (raw - pad_idx) * m
        return carry

    lax.fori_loop(0, PER_W // 16, mask_body, 0)

    def gather(b, g):
        return pltpu.make_async_copy(
            table_h.at[ids_v.at[pl.ds(g * C, C)]],
            rows_v.at[pl.ds(b * C, C)],
            gsems[b],
        )

    def write(b, g):
        return pltpu.make_async_copy(
            rows_v.at[pl.ds(b * C, C)],
            out_h.at[pl.ds(base + g * C, C)],
            wsems[b],
        )

    for b in range(NB):
        gather(b, b).start()

    def group_body(gi, carry):
        g0 = gi * NB
        for b in range(NB):
            gather(b, g0 + b).wait()
            write(b, g0 + b).start()
        for b in range(NB):
            write(b, g0 + b).wait()
            gather(b, g0 + NB + b).start()
        return carry

    lax.fori_loop(0, GROUPS - 1, group_body, 0)

    g0 = (GROUPS - 1) * NB
    for b in range(NB):
        gather(b, g0 + b).wait()
        write(b, g0 + b).start()
    for b in range(NB):
        write(b, g0 + b).wait()


_gather = functools.partial(
    pl.kernel,
    out_type=jax.ShapeDtypeStruct((N, D), jnp.float32),
    mesh=plsc.VectorSubcoreMesh(core_axis_name="c", subcore_axis_name="s"),
    scratch_types=(
        [
            pltpu.VMEM((PER_W,), jnp.int32),
            pltpu.VMEM((BATCH_PER_W,), jnp.int32),
            pltpu.VMEM((NB * C, D), jnp.float32),
        ]
        + [pltpu.SemaphoreType.DMA] * (2 * NB)
    ),
)(_body)


@jax.jit
def kernel(token_ids, ori_token_length, table):
    table_p = jnp.concatenate(
        [table, jnp.zeros((NPAD, D), jnp.float32)], axis=0
    )
    ids = token_ids.reshape(N).astype(jnp.int32)
    lens = ori_token_length.astype(jnp.int32)
    out = _gather(table_p, ids, lens)
    return out.reshape(B, L, D)

# --- scband reference (transcript-rebuilt; emitter-appended) ---
"""Pipeline reference for scband-text-embedding-model-33870112096465 (READ-ONLY COPY).

The authoritative reference and input builder live on the scoring server;
editing this copy changes nothing except your own understanding.
"""

import jax, jax.numpy as jnp
import numpy as np

VOCAB = 100000
EMBED_DIM = 128
BATCH = 4096
SEQ_LEN = 200

def setup_inputs(seed: int = 0) -> dict:
    key = jax.random.key(seed)
    k1, k2, k3 = jax.random.split(key, 3)
    token_ids = jax.random.randint(k1, (BATCH, SEQ_LEN), 0, VOCAB)
    ori_token_length = jax.random.randint(k2, (BATCH,), 0, SEQ_LEN)
    table = jax.random.normal(k3, (VOCAB, EMBED_DIM), dtype=jnp.float32)
    return {"token_ids": token_ids, "ori_token_length": ori_token_length, "table": table}

def reference(token_ids, ori_token_length, table):
    # text_embedding: gather token embeddings, then zero out padding positions
    # beyond each sequence's original length.
    emb = jnp.take(table, token_ids, axis=0)  # [B, L, D] gather (SparseCore-mappable)
    L = token_ids.shape[1]
    mask = (jnp.arange(L)[None, :] < ori_token_length[:, None]).astype(emb.dtype)  # [B, L]
    return emb * mask[:, :, None]

if __name__ == "__main__":
    import jax
    _d = setup_inputs()
    print(jax.jit(kernel)(*tuple(_d.values())))

</pallas_src>

<mosaic_0001>
#map = affine_map<(d0, d1) -> (0, 0)>
#map1 = affine_map<(d0, d1) -> (0)>
module attributes {stable_mosaic.version = 14 : i64} {
  func.func @_body(%arg0: i32, %arg1: i32, %arg2: memref<108192x128xf32, #tpu.memory_space<hbm>>, %arg3: memref<819200xi32, #tpu.memory_space<hbm>>, %arg4: memref<4096xi32, #tpu.memory_space<hbm>>, %arg5: memref<819200x128xf32, #tpu.memory_space<hbm>>, %arg6: memref<25600xi32, #tpu.memory_space<vmem>>, %arg7: memref<128xi32, #tpu.memory_space<vmem>>, %arg8: memref<640x128xf32, #tpu.memory_space<vmem>>, %arg9: memref<!tpu.dma_semaphore, #tpu.memory_space<semaphore_mem>>, %arg10: memref<!tpu.dma_semaphore, #tpu.memory_space<semaphore_mem>>, %arg11: memref<!tpu.dma_semaphore, #tpu.memory_space<semaphore_mem>>, %arg12: memref<!tpu.dma_semaphore, #tpu.memory_space<semaphore_mem>>, %arg13: memref<!tpu.dma_semaphore, #tpu.memory_space<semaphore_mem>>, %arg14: memref<!tpu.dma_semaphore, #tpu.memory_space<semaphore_mem>>, %arg15: memref<!tpu.dma_semaphore, #tpu.memory_space<semaphore_mem>>, %arg16: memref<!tpu.dma_semaphore, #tpu.memory_space<semaphore_mem>>, %arg17: memref<!tpu.dma_semaphore, #tpu.memory_space<semaphore_mem>>, %arg18: memref<!tpu.dma_semaphore, #tpu.memory_space<semaphore_mem>>) attributes {dimension_semantics = [#tpu.dimension_semantics<core_parallel>, #tpu.dimension_semantics<subcore_parallel>], iteration_bounds = array<i64: 2, 16>, scalar_prefetch = 0 : i64, scratch_operands = 13 : i64, tpu.core_type = #tpu.core_type<sc_vector_subcore>, window_params = [{transform_indices = #map}, {transform_indices = #map1}, {transform_indices = #map1}, {transform_indices = #map}]} {
    %mul3A = arith.constant 2 : i32
    %mul3A_0 = arith.muli %arg1, %mul3A : i32
    %add3A = arith.addi %mul3A_0, %arg0 : i32
    %mul3A_1 = arith.constant 25600 : i32
    %mul3A_2 = arith.muli %add3A, %mul3A_1 : i32
    "tpu.region"() ({
      %run_scoped3A = tpu.sem_alloc : memref<!tpu.dma_semaphore, #tpu.memory_space<semaphore_mem>>
      %dma_start3A_214 = tpu.memref_slice %arg3[%mul3A_2] : memref<819200xi32, #tpu.memory_space<hbm>> -> memref<25600xi32, #tpu.memory_space<hbm>>
      %dma_start3A_215 = tpu.memref_slice %arg3[%mul3A_2] : memref<819200xi32, #tpu.memory_space<hbm>> -> memref<25600xi32, #tpu.memory_space<hbm>>
      tpu.enqueue_dma source(%dma_start3A_215 : memref<25600xi32, #tpu.memory_space<hbm>>) target(%arg6 : memref<25600xi32, #tpu.memory_space<vmem>>) target_semaphore(%run_scoped3A : memref<!tpu.dma_semaphore, #tpu.memory_space<semaphore_mem>>)
      %dma_wait3A_216 = tpu.memref_slice %arg3[%mul3A_2] : memref<819200xi32, #tpu.memory_space<hbm>> -> memref<25600xi32, #tpu.memory_space<hbm>>
      %dma_wait3A_217 = tpu.memref_slice %arg3[%mul3A_2] : memref<819200xi32, #tpu.memory_space<hbm>> -> memref<25600xi32, #tpu.memory_space<hbm>>
      tpu.wait_dma2 semaphore(%run_scoped3A : memref<!tpu.dma_semaphore, #tpu.memory_space<semaphore_mem>>) src(%dma_wait3A_217 : memref<25600xi32, #tpu.memory_space<hbm>>) dst(%arg6 : memref<25600xi32, #tpu.memory_space<vmem>>)
      tpu.yield
    }) : () -> ()
    %mul3A_3 = arith.constant 128 : i32
    %mul3A_4 = arith.muli %add3A, %mul3A_3 : i32
    "tpu.region"() ({
      %run_scoped3A = tpu.sem_alloc : memref<!tpu.dma_semaphore, #tpu.memory_space<semaphore_mem>>
      %dma_start3A_214 = tpu.memref_slice %arg4[%mul3A_4] : memref<4096xi32, #tpu.memory_space<hbm>> -> memref<128xi32, #tpu.memory_space<hbm>>
      %dma_start3A_215 = tpu.memref_slice %arg4[%mul3A_4] : memref<4096xi32, #tpu.memory_space<hbm>> -> memref<128xi32, #tpu.memory_space<hbm>>
      tpu.enqueue_dma source(%dma_start3A_215 : memref<128xi32, #tpu.memory_space<hbm>>) target(%arg7 : memref<128xi32, #tpu.memory_space<vmem>>) target_semaphore(%run_scoped3A : memref<!tpu.dma_semaphore, #tpu.memory_space<semaphore_mem>>)
      %dma_wait3A_216 = tpu.memref_slice %arg4[%mul3A_4] : memref<4096xi32, #tpu.memory_space<hbm>> -> memref<128xi32, #tpu.memory_space<hbm>>
      %dma_wait3A_217 = tpu.memref_slice %arg4[%mul3A_4] : memref<4096xi32, #tpu.memory_space<hbm>> -> memref<128xi32, #tpu.memory_space<hbm>>
      tpu.wait_dma2 semaphore(%run_scoped3A : memref<!tpu.dma_semaphore, #tpu.memory_space<semaphore_mem>>) src(%dma_wait3A_217 : memref<128xi32, #tpu.memory_space<hbm>>) dst(%arg7 : memref<128xi32, #tpu.memory_space<vmem>>)
      tpu.yield
    }) : () -> ()
    %scan3A = arith.constant 0 : i32
    %scan3A_5 = arith.constant 0 : i32
    %scan3A_6 = arith.constant 1600 : i32
    %scan3A_7 = arith.addi %scan3A_5, %scan3A_6 : i32
    %scan3A_8 = arith.constant 1 : i32
    scf.for %scan3A_214 = %scan3A_5 to %scan3A_7 step %scan3A_8  : i32 {
      %iota3A = tpu.iota {dimensions = array<i32: 0>} : vector<16xi32>
      %mul3A_215 = arith.constant 16 : i32
      %mul3A_216 = arith.muli %scan3A_214, %mul3A_215 : i32
      %add3A_217 = vector.broadcast %mul3A_216 : i32 to vector<16xi32>
      %add3A_218 = arith.addi %add3A_217, %iota3A : vector<16xi32>
      %mul3A_219 = arith.constant 10486 : i32
      %mul3A_220 = vector.broadcast %mul3A_219 : i32 to vector<16xi32>
      %mul3A_221 = arith.muli %add3A_218, %mul3A_220 : vector<16xi32>
      %shift_right_logical3A = arith.constant 21 : i32
      %shift_right_logical3A_222 = vector.broadcast %shift_right_logical3A : i32 to vector<16xi32>
      %shift_right_logical3A_223 = arith.shrui %mul3A_221, %shift_right_logical3A_222 : vector<16xi32>
      %mul3A_224 = arith.constant 200 : i32
      %mul3A_225 = vector.broadcast %mul3A_224 : i32 to vector<16xi32>
      %mul3A_226 = arith.muli %shift_right_logical3A_223, %mul3A_225 : vector<16xi32>
      %sub3A = arith.subi %add3A_218, %mul3A_226 : vector<16xi32>
      %mul3A_227 = arith.constant 10486 : i32
      %mul3A_228 = arith.muli %mul3A_216, %mul3A_227 : i32
      %shift_right_logical3A_229 = arith.constant 21 : i32
      %shift_right_logical3A_230 = arith.shrui %mul3A_228, %shift_right_logical3A_229 : i32
      %min3A = arith.constant 112 : i32
      %min3A_231 = arith.minsi %shift_right_logical3A_230, %min3A : i32
      %get3A = arith.index_cast %min3A_231 : i32 to index
      %get3A_232 = tpu.vector_load %arg7[%get3A] {strides = array<i32>} : memref<128xi32, #tpu.memory_space<vmem>>, vector<16xi32>,
      %get3A_233 = vector.shape_cast %get3A_232 : vector<16xi32> to vector<16xi32>
      %sub3A_234 = vector.broadcast %min3A_231 : i32 to vector<16xi32>
      %sub3A_235 = arith.subi %shift_right_logical3A_223, %sub3A_234 : vector<16xi32>
      %broadcast_in_dim3A = vector.shape_cast %sub3A_235 : vector<16xi32> to vector<16x1xi32>
      %gather3A = vector.shape_cast %broadcast_in_dim3A : vector<16x1xi32> to vector<16xi32>
      %gather3A_236 = tpu.dynamic_gather %get3A_233[%gather3A] in [0] : vector<16xi32>, vector<16xi32> -> vector<16xi32>
      %add3A_237 = vector.broadcast %mul3A_2 : i32 to vector<16xi32>
      %add3A_238 = arith.addi %add3A_218, %add3A_237 : vector<16xi32>
      %and3A = arith.constant 8191 : i32
      %and3A_239 = vector.broadcast %and3A : i32 to vector<16xi32>
      %and3A_240 = arith.andi %add3A_238, %and3A_239 : vector<16xi32>
      %add3A_241 = arith.constant 100000 : i32
      %add3A_242 = vector.broadcast %add3A_241 : i32 to vector<16xi32>
      %add3A_243 = arith.addi %add3A_242, %and3A_240 : vector<16xi32>
      %sub3A_244 = arith.subi %gather3A_236, %sub3A : vector<16xi32>
      %min3A_245 = arith.constant 1 : i32
      %min3A_246 = vector.broadcast %min3A_245 : i32 to vector<16xi32>
      %min3A_247 = arith.minsi %min3A_246, %sub3A_244 : vector<16xi32>
      %max3A = arith.constant 0 : i32
      %max3A_248 = vector.broadcast %max3A : i32 to vector<16xi32>
      %max3A_249 = arith.maxsi %max3A_248, %min3A_247 : vector<16xi32>
      %get3A_250 = arith.index_cast %mul3A_216 : i32 to index
      %get3A_251 = tpu.vector_load %arg6[%get3A_250] {strides = array<i32>} : memref<25600xi32, #tpu.memory_space<vmem>>, vector<16xi32>,
      %get3A_252 = vector.shape_cast %get3A_251 : vector<16xi32> to vector<16xi32>
      %sub3A_253 = arith.subi %get3A_252, %add3A_243 : vector<16xi32>
      %mul3A_254 = arith.muli %sub3A_253, %max3A_249 : vector<16xi32>
      %add3A_255 = arith.addi %add3A_243, %mul3A_254 : vector<16xi32>
      %swap3A = arith.index_cast %mul3A_216 : i32 to index
      %swap3A_256 = tpu.vector_load %arg6[%swap3A] {strides = array<i32>} : memref<25600xi32, #tpu.memory_space<vmem>>, vector<16xi32>,
      %swap3A_257 = vector.shape_cast %swap3A_256 : vector<16xi32> to vector<16xi32>
      %swap3A_258 = vector.shape_cast %add3A_255 : vector<16xi32> to vector<16xi32>
      tpu.vector_store %arg6[%swap3A], %swap3A_258 {strides = array<i32>} : memref<25600xi32, #tpu.memory_space<vmem>>, vector<16xi32>,
    }
    %scan3A_9 = arith.constant 1600 : i32
    %dma_start3A = arith.constant 0 : i32
    %dma_start3A_10 = arith.constant 0 : i32
    %dma_start3A_11 = tpu.memref_slice %arg8[%dma_start3A, %dma_start3A_10] : memref<640x128xf32, #tpu.memory_space<vmem>> -> memref<128x128xf32, #tpu.memory_space<vmem>>
    %dma_start3A_12 = arith.constant 0 : i32
    %dma_start3A_13 = tpu.memref_slice %arg6[%dma_start3A_12] : memref<25600xi32, #tpu.memory_space<vmem>> -> memref<128xi32, #tpu.memory_space<vmem>>
    %dma_start3A_14 = arith.constant 0 : i32
    %dma_start3A_15 = arith.constant 0 : i32
    %dma_start3A_16 = tpu.memref_slice %arg2[%dma_start3A_14, %dma_start3A_15] : memref<108192x128xf32, #tpu.memory_space<hbm>> -> memref<108192x128xf32, #tpu.memory_space<hbm>>
    tpu.enqueue_indirect_dma source(%dma_start3A_16 : memref<108192x128xf32, #tpu.memory_space<hbm>>) target(%dma_start3A_11 : memref<128x128xf32, #tpu.memory_space<vmem>>) offsets(%dma_start3A_13 : memref<128xi32, #tpu.memory_space<vmem>>) semaphore(%arg9 : memref<!tpu.dma_semaphore, #tpu.memory_space<semaphore_mem>>)
    %dma_start3A_17 = arith.constant 128 : i32
    %dma_start3A_18 = arith.constant 0 : i32
    %dma_start3A_19 = tpu.memref_slice %arg8[%dma_start3A_17, %dma_start3A_18] : memref<640x128xf32, #tpu.memory_space<vmem>> -> memref<128x128xf32, #tpu.memory_space<vmem>>
    %dma_start3A_20 = arith.constant 128 : i32
    %dma_start3A_21 = tpu.memref_slice %arg6[%dma_start3A_20] : memref<25600xi32, #tpu.memory_space<vmem>> -> memref<128xi32, #tpu.memory_space<vmem>>
    %dma_start3A_22 = arith.constant 0 : i32
    %dma_start3A_23 = arith.constant 0 : i32
    %dma_start3A_24 = tpu.memref_slice %arg2[%dma_start3A_22, %dma_start3A_23] : memref<108192x128xf32, #tpu.memory_space<hbm>> -> memref<108192x128xf32, #tpu.memory_space<hbm>>
    tpu.enqueue_indirect_dma source(%dma_start3A_24 : memref<108192x128xf32, #tpu.memory_space<hbm>>) target(%dma_start3A_19 : memref<128x128xf32, #tpu.memory_space<vmem>>) offsets(%dma_start3A_21 : memref<128xi32, #tpu.memory_space<vmem>>) semaphore(%arg10 : memref<!tpu.dma_semaphore, #tpu.memory_space<semaphore_mem>>)
    %dma_start3A_25 = arith.constant 256 : i32
    %dma_start3A_26 = arith.constant 0 : i32
    %dma_start3A_27 = tpu.memref_slice %arg8[%dma_start3A_25, %dma_start3A_26] : memref<640x128xf32, #tpu.memory_space<vmem>> -> memref<128x128xf32, #tpu.memory_space<vmem>>
    %dma_start3A_28 = arith.constant 256 : i32
    %dma_start3A_29 = tpu.memref_slice %arg6[%dma_start3A_28] : memref<25600xi32, #tpu.memory_space<vmem>> -> memref<128xi32, #tpu.memory_space<vmem>>
    %dma_start3A_30 = arith.constant 0 : i32
    %dma_start3A_31 = arith.constant 0 : i32
    %dma_start3A_32 = tpu.memref_slice %arg2[%dma_start3A_30, %dma_start3A_31] : memref<108192x128xf32, #tpu.memory_space<hbm>> -> memref<108192x128xf32, #tpu.memory_space<hbm>>
    tpu.enqueue_indirect_dma source(%dma_start3A_32 : memref<108192x128xf32, #tpu.memory_space<hbm>>) target(%dma_start3A_27 : memref<128x128xf32, #tpu.memory_space<vmem>>) offsets(%dma_start3A_29 : memref<128xi32, #tpu.memory_space<vmem>>) semaphore(%arg11 : memref<!tpu.dma_semaphore, #tpu.memory_space<semaphore_mem>>)
    %dma_start3A_33 = arith.constant 384 : i32
    %dma_start3A_34 = arith.constant 0 : i32
    %dma_start3A_35 = tpu.memref_slice %arg8[%dma_start3A_33, %dma_start3A_34] : memref<640x128xf32, #tpu.memory_space<vmem>> -> memref<128x128xf32, #tpu.memory_space<vmem>>
    %dma_start3A_36 = arith.constant 384 : i32
    %dma_start3A_37 = tpu.memref_slice %arg6[%dma_start3A_36] : memref<25600xi32, #tpu.memory_space<vmem>> -> memref<128xi32, #tpu.memory_space<vmem>>
    %dma_start3A_38 = arith.constant 0 : i32
    %dma_start3A_39 = arith.constant 0 : i32
    %dma_start3A_40 = tpu.memref_slice %arg2[%dma_start3A_38, %dma_start3A_39] : memref<108192x128xf32, #tpu.memory_space<hbm>> -> memref<108192x128xf32, #tpu.memory_space<hbm>>
    tpu.enqueue_indirect_dma source(%dma_start3A_40 : memref<108192x128xf32, #tpu.memory_space<hbm>>) target(%dma_start3A_35 : memref<128x128xf32, #tpu.memory_space<vmem>>) offsets(%dma_start3A_37 : memref<128xi32, #tpu.memory_space<vmem>>) semaphore(%arg12 : memref<!tpu.dma_semaphore, #tpu.memory_space<semaphore_mem>>)
    %dma_start3A_41 = arith.constant 512 : i32
    %dma_start3A_42 = arith.constant 0 : i32
    %dma_start3A_43 = tpu.memref_slice %arg8[%dma_start3A_41, %dma_start3A_42] : memref<640x128xf32, #tpu.memory_space<vmem>> -> memref<128x128xf32, #tpu.memory_space<vmem>>
    %dma_start3A_44 = arith.constant 512 : i32
    %dma_start3A_45 = tpu.memref_slice %arg6[%dma_start3A_44] : memref<25600xi32, #tpu.memory_space<vmem>> -> memref<128xi32, #tpu.memory_space<vmem>>
    %dma_start3A_46 = arith.constant 0 : i32
    %dma_start3A_47 = arith.constant 0 : i32
    %dma_start3A_48 = tpu.memref_slice %arg2[%dma_start3A_46, %dma_start3A_47] : memref<108192x128xf32, #tpu.memory_space<hbm>> -> memref<108192x128xf32, #tpu.memory_space<hbm>>
    tpu.enqueue_indirect_dma source(%dma_start3A_48 : memref<108192x128xf32, #tpu.memory_space<hbm>>) target(%dma_start3A_43 : memref<128x128xf32, #tpu.memory_space<vmem>>) offsets(%dma_start3A_45 : memref<128xi32, #tpu.memory_space<vmem>>) semaphore(%arg13 : memref<!tpu.dma_semaphore, #tpu.memory_space<semaphore_mem>>)
    %scan3A_49 = arith.constant 0 : i32
    %scan3A_50 = arith.constant 0 : i32
    %scan3A_51 = arith.constant 39 : i32
    %scan3A_52 = arith.addi %scan3A_50, %scan3A_51 : i32
    %scan3A_53 = arith.constant 1 : i32
    scf.for %scan3A_214 = %scan3A_50 to %scan3A_52 step %scan3A_53  : i32 {
      %mul3A_215 = arith.constant 5 : i32
      %mul3A_216 = arith.muli %scan3A_214, %mul3A_215 : i32
      %add3A_217 = arith.constant 0 : i32
      %add3A_218 = arith.addi %mul3A_216, %add3A_217 : i32
      %mul3A_219 = arith.constant 128 : i32
      %mul3A_220 = arith.muli %add3A_218, %mul3A_219 : i32
      %dma_wait3A_221 = arith.constant 0 : i32
      %dma_wait3A_222 = arith.constant 0 : i32
      %dma_wait3A_223 = tpu.memref_slice %arg8[%dma_wait3A_221, %dma_wait3A_222] : memref<640x128xf32, #tpu.memory_space<vmem>> -> memref<128x128xf32, #tpu.memory_space<vmem>>
      %dma_wait3A_224 = tpu.memref_slice %arg6[%mul3A_220] : memref<25600xi32, #tpu.memory_space<vmem>> -> memref<128xi32, #tpu.memory_space<vmem>>
      %dma_wait3A_225 = arith.constant 0 : i32
      %dma_wait3A_226 = arith.constant 0 : i32
      %dma_wait3A_227 = tpu.memref_slice %arg2[%dma_wait3A_225, %dma_wait3A_226] : memref<108192x128xf32, #tpu.memory_space<hbm>> -> memref<108192x128xf32, #tpu.memory_space<hbm>>
      tpu.wait_indirect_dma semaphore(%arg9 : memref<!tpu.dma_semaphore, #tpu.memory_space<semaphore_mem>>) src(%dma_wait3A_227 : memref<108192x128xf32, #tpu.memory_space<hbm>>) dst(%dma_wait3A_223 : memref<128x128xf32, #tpu.memory_space<vmem>>)
      %add3A_228 = arith.constant 0 : i32
      %add3A_229 = arith.addi %mul3A_216, %add3A_228 : i32
      %mul3A_230 = arith.constant 128 : i32
      %mul3A_231 = arith.muli %add3A_229, %mul3A_230 : i32
      %add3A_232 = arith.addi %mul3A_2, %mul3A_231 : i32
      %dma_start3A_233 = arith.constant 0 : i32
      %dma_start3A_234 = arith.constant 0 : i32
      %dma_start3A_235 = tpu.memref_slice %arg8[%dma_start3A_233, %dma_start3A_234] : memref<640x128xf32, #tpu.memory_space<vmem>> -> memref<128x128xf32, #tpu.memory_space<vmem>>
      %dma_start3A_236 = arith.constant 0 : i32
      %dma_start3A_237 = tpu.memref_slice %arg5[%add3A_232, %dma_start3A_236] : memref<819200x128xf32, #tpu.memory_space<hbm>> -> memref<128x128xf32, #tpu.memory_space<hbm>>
      %dma_start3A_238 = arith.constant 0 : i32
      %dma_start3A_239 = tpu.memref_slice %arg5[%add3A_232, %dma_start3A_238] : memref<819200x128xf32, #tpu.memory_space<hbm>> -> memref<128x128xf32, #tpu.memory_space<hbm>>
      %dma_start3A_240 = arith.constant 0 : i32
      %dma_start3A_241 = arith.constant 0 : i32
      %dma_start3A_242 = tpu.memref_slice %arg8[%dma_start3A_240, %dma_start3A_241] : memref<640x128xf32, #tpu.memory_space<vmem>> -> memref<128x128xf32, #tpu.memory_space<vmem>>
      tpu.enqueue_dma source(%dma_start3A_242 : memref<128x128xf32, #tpu.memory_space<vmem>>) target(%dma_start3A_239 : memref<128x128xf32, #tpu.memory_space<hbm>>) target_semaphore(%arg14 : memref<!tpu.dma_semaphore, #tpu.memory_space<semaphore_mem>>)
      %add3A_243 = arith.constant 1 : i32
      %add3A_244 = arith.addi %mul3A_216, %add3A_243 : i32
      %mul3A_245 = arith.constant 128 : i32
      %mul3A_246 = arith.muli %add3A_244, %mul3A_245 : i32
      %dma_wait3A_247 = arith.constant 128 : i32
      %dma_wait3A_248 = arith.constant 0 : i32
      %dma_wait3A_249 = tpu.memref_slice %arg8[%dma_wait3A_247, %dma_wait3A_248] : memref<640x128xf32, #tpu.memory_space<vmem>> -> memref<128x128xf32, #tpu.memory_space<vmem>>
      %dma_wait3A_250 = tpu.memref_slice %arg6[%mul3A_246] : memref<25600xi32, #tpu.memory_space<vmem>> -> memref<128xi32, #tpu.memory_space<vmem>>
      %dma_wait3A_251 = arith.constant 0 : i32
      %dma_wait3A_252 = arith.constant 0 : i32
      %dma_wait3A_253 = tpu.memref_slice %arg2[%dma_wait3A_251, %dma_wait3A_252] : memref<108192x128xf32, #tpu.memory_space<hbm>> -> memref<108192x128xf32, #tpu.memory_space<hbm>>
      tpu.wait_indirect_dma semaphore(%arg10 : memref<!tpu.dma_semaphore, #tpu.memory_space<semaphore_mem>>) src(%dma_wait3A_253 : memref<108192x128xf32, #tpu.memory_space<hbm>>) dst(%dma_wait3A_249 : memref<128x128xf32, #tpu.memory_space<vmem>>)
      %add3A_254 = arith.constant 1 : i32
      %add3A_255 = arith.addi %mul3A_216, %add3A_254 : i32
      %mul3A_256 = arith.constant 128 : i32
      %mul3A_257 = arith.muli %add3A_255, %mul3A_256 : i32
      %add3A_258 = arith.addi %mul3A_2, %mul3A_257 : i32
      %dma_start3A_259 = arith.constant 128 : i32
      %dma_start3A_260 = arith.constant 0 : i32
      %dma_start3A_261 = tpu.memref_slice %arg8[%dma_start3A_259, %dma_start3A_260] : memref<640x128xf32, #tpu.memory_space<vmem>> -> memref<128x128xf32, #tpu.memory_space<vmem>>
      %dma_start3A_262 = arith.constant 0 : i32
      %dma_start3A_263 = tpu.memref_slice %arg5[%add3A_258, %dma_start3A_262] : memref<819200x128xf32, #tpu.memory_space<hbm>> -> memref<128x128xf32, #tpu.memory_space<hbm>>
      %dma_start3A_264 = arith.constant 0 : i32
      %dma_start3A_265 = tpu.memref_slice %arg5[%add3A_258, %dma_start3A_264] : memref<819200x128xf32, #tpu.memory_space<hbm>> -> memref<128x128xf32, #tpu.memory_space<hbm>>
      %dma_start3A_266 = arith.constant 128 : i32
      %dma_start3A_267 = arith.constant 0 : i32
      %dma_start3A_268 = tpu.memref_slice %arg8[%dma_start3A_266, %dma_start3A_267] : memref<640x128xf32, #tpu.memory_space<vmem>> -> memref<128x128xf32, #tpu.memory_space<vmem>>
      tpu.enqueue_dma source(%dma_start3A_268 : memref<128x128xf32, #tpu.memory_space<vmem>>) target(%dma_start3A_265 : memref<128x128xf32, #tpu.memory_space<hbm>>) target_semaphore(%arg15 : memref<!tpu.dma_semaphore, #tpu.memory_space<semaphore_mem>>)
      %add3A_269 = arith.constant 2 : i32
      %add3A_270 = arith.addi %mul3A_216, %add3A_269 : i32
      %mul3A_271 = arith.constant 128 : i32
      %mul3A_272 = arith.muli %add3A_270, %mul3A_271 : i32
      %dma_wait3A_273 = arith.constant 256 : i32
      %dma_wait3A_274 = arith.constant 0 : i32
      %dma_wait3A_275 = tpu.memref_slice %arg8[%dma_wait3A_273, %dma_wait3A_274] : memref<640x128xf32, #tpu.memory_space<vmem>> -> memref<128x128xf32, #tpu.memory_space<vmem>>
      %dma_wait3A_276 = tpu.memref_slice %arg6[%mul3A_272] : memref<25600xi32, #tpu.memory_space<vmem>> -> memref<128xi32, #tpu.memory_space<vmem>>
      %dma_wait3A_277 = arith.constant 0 : i32
      %dma_wait3A_278 = arith.constant 0 : i32
      %dma_wait3A_279 = tpu.memref_slice %arg2[%dma_wait3A_277, %dma_wait3A_278] : memref<108192x128xf32, #tpu.memory_space<hbm>> -> memref<108192x128xf32, #tpu.memory_space<hbm>>
      tpu.wait_indirect_dma semaphore(%arg11 : memref<!tpu.dma_semaphore, #tpu.memory_space<semaphore_mem>>) src(%dma_wait3A_279 : memref<108192x128xf32, #tpu.memory_space<hbm>>) dst(%dma_wait3A_275 : memref<128x128xf32, #tpu.memory_space<vmem>>)
      %add3A_280 = arith.constant 2 : i32
      %add3A_281 = arith.addi %mul3A_216, %add3A_280 : i32
      %mul3A_282 = arith.constant 128 : i32
      %mul3A_283 = arith.muli %add3A_281, %mul3A_282 : i32
      %add3A_284 = arith.addi %mul3A_2, %mul3A_283 : i32
      %dma_start3A_285 = arith.constant 256 : i32
      %dma_start3A_286 = arith.constant 0 : i32
      %dma_start3A_287 = tpu.memref_slice %arg8[%dma_start3A_285, %dma_start3A_286] : memref<640x128xf32, #tpu.memory_space<vmem>> -> memref<128x128xf32, #tpu.memory_space<vmem>>
      %dma_start3A_288 = arith.constant 0 : i32
      %dma_start3A_289 = tpu.memref_slice %arg5[%add3A_284, %dma_start3A_288] : memref<819200x128xf32, #tpu.memory_space<hbm>> -> memref<128x128xf32, #tpu.memory_space<hbm>>
      %dma_start3A_290 = arith.constant 0 : i32
      %dma_start3A_291 = tpu.memref_slice %arg5[%add3A_284, %dma_start3A_290] : memref<819200x128xf32, #tpu.memory_space<hbm>> -> memref<128x128xf32, #tpu.memory_space<hbm>>
      %dma_start3A_292 = arith.constant 256 : i32
      %dma_start3A_293 = arith.constant 0 : i32
      %dma_start3A_294 = tpu.memref_slice %arg8[%dma_start3A_292, %dma_start3A_293] : memref<640x128xf32, #tpu.memory_space<vmem>> -> memref<128x128xf32, #tpu.memory_space<vmem>>
      tpu.enqueue_dma source(%dma_start3A_294 : memref<128x128xf32, #tpu.memory_space<vmem>>) target(%dma_start3A_291 : memref<128x128xf32, #tpu.memory_space<hbm>>) target_semaphore(%arg16 : memref<!tpu.dma_semaphore, #tpu.memory_space<semaphore_mem>>)
      %add3A_295 = arith.constant 3 : i32
      %add3A_296 = arith.addi %mul3A_216, %add3A_295 : i32
      %mul3A_297 = arith.constant 128 : i32
      %mul3A_298 = arith.muli %add3A_296, %mul3A_297 : i32
      %dma_wait3A_299 = arith.constant 384 : i32
      %dma_wait3A_300 = arith.constant 0 : i32
      %dma_wait3A_301 = tpu.memref_slice %arg8[%dma_wait3A_299, %dma_wait3A_300] : memref<640x128xf32, #tpu.memory_space<vmem>> -> memref<128x128xf32, #tpu.memory_space<vmem>>
      %dma_wait3A_302 = tpu.memref_slice %arg6[%mul3A_298] : memref<25600xi32, #tpu.memory_space<vmem>> -> memref<128xi32, #tpu.memory_space<vmem>>
      %dma_wait3A_303 = arith.constant 0 : i32
      %dma_wait3A_304 = arith.constant 0 : i32
      %dma_wait3A_305 = tpu.memref_slice %arg2[%dma_wait3A_303, %dma_wait3A_304] : memref<108192x128xf32, #tpu.memory_space<hbm>> -> memref<108192x128xf32, #tpu.memory_space<hbm>>
      tpu.wait_indirect_dma semaphore(%arg12 : memref<!tpu.dma_semaphore, #tpu.memory_space<semaphore_mem>>) src(%dma_wait3A_305 : memref<108192x128xf32, #tpu.memory_space<hbm>>) dst(%dma_wait3A_301 : memref<128x128xf32, #tpu.memory_space<vmem>>)
      %add3A_306 = arith.constant 3 : i32
      %add3A_307 = arith.addi %mul3A_216, %add3A_306 : i32
      %mul3A_308 = arith.constant 128 : i32
      %mul3A_309 = arith.muli %add3A_307, %mul3A_308 : i32
      %add3A_310 = arith.addi %mul3A_2, %mul3A_309 : i32
      %dma_start3A_311 = arith.constant 384 : i32
      %dma_start3A_312 = arith.constant 0 : i32
      %dma_start3A_313 = tpu.memref_slice %arg8[%dma_start3A_311, %dma_start3A_312] : memref<640x128xf32, #tpu.memory_space<vmem>> -> memref<128x128xf32, #tpu.memory_space<vmem>>
      %dma_start3A_314 = arith.constant 0 : i32
      %dma_start3A_315 = tpu.memref_slice %arg5[%add3A_310, %dma_start3A_314] : memref<819200x128xf32, #tpu.memory_space<hbm>> -> memref<128x128xf32, #tpu.memory_space<hbm>>
      %dma_start3A_316 = arith.constant 0 : i32
      %dma_start3A_317 = tpu.memref_slice %arg5[%add3A_310, %dma_start3A_316] : memref<819200x128xf32, #tpu.memory_space<hbm>> -> memref<128x128xf32, #tpu.memory_space<hbm>>
      %dma_start3A_318 = arith.constant 384 : i32
      %dma_start3A_319 = arith.constant 0 : i32
      %dma_start3A_320 = tpu.memref_slice %arg8[%dma_start3A_318, %dma_start3A_319] : memref<640x128xf32, #tpu.memory_space<vmem>> -> memref<128x128xf32, #tpu.memory_space<vmem>>
      tpu.enqueue_dma source(%dma_start3A_320 : memref<128x128xf32, #tpu.memory_space<vmem>>) target(%dma_start3A_317 : memref<128x128xf32, #tpu.memory_space<hbm>>) target_semaphore(%arg17 : memref<!tpu.dma_semaphore, #tpu.memory_space<semaphore_mem>>)
      %add3A_321 = arith.constant 4 : i32
      %add3A_322 = arith.addi %mul3A_216, %add3A_321 : i32
      %mul3A_323 = arith.constant 128 : i32
      %mul3A_324 = arith.muli %add3A_322, %mul3A_323 : i32
      %dma_wait3A_325 = arith.constant 512 : i32
      %dma_wait3A_326 = arith.constant 0 : i32
      %dma_wait3A_327 = tpu.memref_slice %arg8[%dma_wait3A_325, %dma_wait3A_326] : memref<640x128xf32, #tpu.memory_space<vmem>> -> memref<128x128xf32, #tpu.memory_space<vmem>>
      %dma_wait3A_328 = tpu.memref_slice %arg6[%mul3A_324] : memref<25600xi32, #tpu.memory_space<vmem>> -> memref<128xi32, #tpu.memory_space<vmem>>
      %dma_wait3A_329 = arith.constant 0 : i32
      %dma_wait3A_330 = arith.constant 0 : i32
      %dma_wait3A_331 = tpu.memref_slice %arg2[%dma_wait3A_329, %dma_wait3A_330] : memref<108192x128xf32, #tpu.memory_space<hbm>> -> memref<108192x128xf32, #tpu.memory_space<hbm>>
      tpu.wait_indirect_dma semaphore(%arg13 : memref<!tpu.dma_semaphore, #tpu.memory_space<semaphore_mem>>) src(%dma_wait3A_331 : memref<108192x128xf32, #tpu.memory_space<hbm>>) dst(%dma_wait3A_327 : memref<128x128xf32, #tpu.memory_space<vmem>>)
      %add3A_332 = arith.constant 4 : i32
      %add3A_333 = arith.addi %mul3A_216, %add3A_332 : i32
      %mul3A_334 = arith.constant 128 : i32
      %mul3A_335 = arith.muli %add3A_333, %mul3A_334 : i32
      %add3A_336 = arith.addi %mul3A_2, %mul3A_335 : i32
      %dma_start3A_337 = arith.constant 512 : i32
      %dma_start3A_338 = arith.constant 0 : i32
      %dma_start3A_339 = tpu.memref_slice %arg8[%dma_start3A_337, %dma_start3A_338] : memref<640x128xf32, #tpu.memory_space<vmem>> -> memref<128x128xf32, #tpu.memory_space<vmem>>
      %dma_start3A_340 = arith.constant 0 : i32
      %dma_start3A_341 = tpu.memref_slice %arg5[%add3A_336, %dma_start3A_340] : memref<819200x128xf32, #tpu.memory_space<hbm>> -> memref<128x128xf32, #tpu.memory_space<hbm>>
      %dma_start3A_342 = arith.constant 0 : i32
      %dma_start3A_343 = tpu.memref_slice %arg5[%add3A_336, %dma_start3A_342] : memref<819200x128xf32, #tpu.memory_space<hbm>> -> memref<128x128xf32, #tpu.memory_space<hbm>>
      %dma_start3A_344 = arith.constant 512 : i32
      %dma_start3A_345 = arith.constant 0 : i32
      %dma_start3A_346 = tpu.memref_slice %arg8[%dma_start3A_344, %dma_start3A_345] : memref<640x128xf32, #tpu.memory_space<vmem>> -> memref<128x128xf32, #tpu.memory_space<vmem>>
      tpu.enqueue_dma source(%dma_start3A_346 : memref<128x128xf32, #tpu.memory_space<vmem>>) target(%dma_start3A_343 : memref<128x128xf32, #tpu.memory_space<hbm>>) target_semaphore(%arg18 : memref<!tpu.dma_semaphore, #tpu.memory_space<semaphore_mem>>)
      %add3A_347 = arith.constant 0 : i32
      %add3A_348 = arith.addi %mul3A_216, %add3A_347 : i32
      %mul3A_349 = arith.constant 128 : i32
      %mul3A_350 = arith.muli %add3A_348, %mul3A_349 : i32
      %add3A_351 = arith.addi %mul3A_2, %mul3A_350 : i32
      %dma_wait3A_352 = arith.constant 0 : i32
      %dma_wait3A_353 = arith.constant 0 : i32
      %dma_wait3A_354 = tpu.memref_slice %arg8[%dma_wait3A_352, %dma_wait3A_353] : memref<640x128xf32, #tpu.memory_space<vmem>> -> memref<128x128xf32, #tpu.memory_space<vmem>>
      %dma_wait3A_355 = arith.constant 0 : i32
      %dma_wait3A_356 = tpu.memref_slice %arg5[%add3A_351, %dma_wait3A_355] : memref<819200x128xf32, #tpu.memory_space<hbm>> -> memref<128x128xf32, #tpu.memory_space<hbm>>
      %dma_wait3A_357 = arith.constant 0 : i32
      %dma_wait3A_358 = tpu.memref_slice %arg5[%add3A_351, %dma_wait3A_357] : memref<819200x128xf32, #tpu.memory_space<hbm>> -> memref<128x128xf32, #tpu.memory_space<hbm>>
      %dma_wait3A_359 = arith.constant 0 : i32
      %dma_wait3A_360 = arith.constant 0 : i32
      %dma_wait3A_361 = tpu.memref_slice %arg8[%dma_wait3A_359, %dma_wait3A_360] : memref<640x128xf32, #tpu.memory_space<vmem>> -> memref<128x128xf32, #tpu.memory_space<vmem>>
      tpu.wait_dma2 semaphore(%arg14 : memref<!tpu.dma_semaphore, #tpu.memory_space<semaphore_mem>>) src(%dma_wait3A_361 : memref<128x128xf32, #tpu.memory_space<vmem>>) dst(%dma_wait3A_358 : memref<128x128xf32, #tpu.memory_space<hbm>>)
      %add3A_362 = arith.constant 5 : i32
      %add3A_363 = arith.addi %mul3A_216, %add3A_362 : i32
      %add3A_364 = arith.constant 0 : i32
      %add3A_365 = arith.addi %add3A_363, %add3A_364 : i32
      %mul3A_366 = arith.constant 128 : i32
      %mul3A_367 = arith.muli %add3A_365, %mul3A_366 : i32
      %dma_start3A_368 = arith.constant 0 : i32
      %dma_start3A_369 = arith.constant 0 : i32
      %dma_start3A_370 = tpu.memref_slice %arg8[%dma_start3A_368, %dma_start3A_369] : memref<640x128xf32, #tpu.memory_space<vmem>> -> memref<128x128xf32, #tpu.memory_space<vmem>>
      %dma_start3A_371 = tpu.memref_slice %arg6[%mul3A_367] : memref<25600xi32, #tpu.memory_space<vmem>> -> memref<128xi32, #tpu.memory_space<vmem>>
      %dma_start3A_372 = arith.constant 0 : i32
      %dma_start3A_373 = arith.constant 0 : i32
      %dma_start3A_374 = tpu.memref_slice %arg2[%dma_start3A_372, %dma_start3A_373] : memref<108192x128xf32, #tpu.memory_space<hbm>> -> memref<108192x128xf32, #tpu.memory_space<hbm>>
      tpu.enqueue_indirect_dma source(%dma_start3A_374 : memref<108192x128xf32, #tpu.memory_space<hbm>>) target(%dma_start3A_370 : memref<128x128xf32, #tpu.memory_space<vmem>>) offsets(%dma_start3A_371 : memref<128xi32, #tpu.memory_space<vmem>>) semaphore(%arg9 : memref<!tpu.dma_semaphore, #tpu.memory_space<semaphore_mem>>)
      %add3A_375 = arith.constant 1 : i32
      %add3A_376 = arith.addi %mul3A_216, %add3A_375 : i32
      %mul3A_377 = arith.constant 128 : i32
      %mul3A_378 = arith.muli %add3A_376, %mul3A_377 : i32
      %add3A_379 = arith.addi %mul3A_2, %mul3A_378 : i32
      %dma_wait3A_380 = arith.constant 128 : i32
      %dma_wait3A_381 = arith.constant 0 : i32
      %dma_wait3A_382 = tpu.memref_slice %arg8[%dma_wait3A_380, %dma_wait3A_381] : memref<640x128xf32, #tpu.memory_space<vmem>> -> memref<128x128xf32, #tpu.memory_space<vmem>>
      %dma_wait3A_383 = arith.constant 0 : i32
      %dma_wait3A_384 = tpu.memref_slice %arg5[%add3A_379, %dma_wait3A_383] : memref<819200x128xf32, #tpu.memory_space<hbm>> -> memref<128x128xf32, #tpu.memory_space<hbm>>
      %dma_wait3A_385 = arith.constant 0 : i32
      %dma_wait3A_386 = tpu.memref_slice %arg5[%add3A_379, %dma_wait3A_385] : memref<819200x128xf32, #tpu.memory_space<hbm>> -> memref<128x128xf32, #tpu.memory_space<hbm>>
      %dma_wait3A_387 = arith.constant 128 : i32
      %dma_wait3A_388 = arith.constant 0 : i32
      %dma_wait3A_389 = tpu.memref_slice %arg8[%dma_wait3A_387, %dma_wait3A_388] : memref<640x128xf32, #tpu.memory_space<vmem>> -> memref<128x128xf32, #tpu.memory_space<vmem>>
      tpu.wait_dma2 semaphore(%arg15 : memref<!tpu.dma_semaphore, #tpu.memory_space<semaphore_mem>>) src(%dma_wait3A_389 : memref<128x128xf32, #tpu.memory_space<vmem>>) dst(%dma_wait3A_386 : memref<128x128xf32, #tpu.memory_space<hbm>>)
      %add3A_390 = arith.constant 5 : i32
      %add3A_391 = arith.addi %mul3A_216, %add3A_390 : i32
      %add3A_392 = arith.constant 1 : i32
      %add3A_393 = arith.addi %add3A_391, %add3A_392 : i32
      %mul3A_394 = arith.constant 128 : i32
      %mul3A_395 = arith.muli %add3A_393, %mul3A_394 : i32
      %dma_start3A_396 = arith.constant 128 : i32
      %dma_start3A_397 = arith.constant 0 : i32
      %dma_start3A_398 = tpu.memref_slice %arg8[%dma_start3A_396, %dma_start3A_397] : memref<640x128xf32, #tpu.memory_space<vmem>> -> memref<128x128xf32, #tpu.memory_space<vmem>>
      %dma_start3A_399 = tpu.memref_slice %arg6[%mul3A_395] : memref<25600xi32, #tpu.memory_space<vmem>> -> memref<128xi32, #tpu.memory_space<vmem>>
      %dma_start3A_400 = arith.constant 0 : i32
      %dma_start3A_401 = arith.constant 0 : i32
      %dma_start3A_402 = tpu.memref_slice %arg2[%dma_start3A_400, %dma_start3A_401] : memref<108192x128xf32, #tpu.memory_space<hbm>> -> memref<108192x128xf32, #tpu.memory_space<hbm>>
      tpu.enqueue_indirect_dma source(%dma_start3A_402 : memref<108192x128xf32, #tpu.memory_space<hbm>>) target(%dma_start3A_398 : memref<128x128xf32, #tpu.memory_space<vmem>>) offsets(%dma_start3A_399 : memref<128xi32, #tpu.memory_space<vmem>>) semaphore(%arg10 : memref<!tpu.dma_semaphore, #tpu.memory_space<semaphore_mem>>)
      %add3A_403 = arith.constant 2 : i32
      %add3A_404 = arith.addi %mul3A_216, %add3A_403 : i32
      %mul3A_405 = arith.constant 128 : i32
      %mul3A_406 = arith.muli %add3A_404, %mul3A_405 : i32
      %add3A_407 = arith.addi %mul3A_2, %mul3A_406 : i32
      %dma_wait3A_408 = arith.constant 256 : i32
      %dma_wait3A_409 = arith.constant 0 : i32
      %dma_wait3A_410 = tpu.memref_slice %arg8[%dma_wait3A_408, %dma_wait3A_409] : memref<640x128xf32, #tpu.memory_space<vmem>> -> memref<128x128xf32, #tpu.memory_space<vmem>>
      %dma_wait3A_411 = arith.constant 0 : i32
      %dma_wait3A_412 = tpu.memref_slice %arg5[%add3A_407, %dma_wait3A_411] : memref<819200x128xf32, #tpu.memory_space<hbm>> -> memref<128x128xf32, #tpu.memory_space<hbm>>
      %dma_wait3A_413 = arith.constant 0 : i32
      %dma_wait3A_414 = tpu.memref_slice %arg5[%add3A_407, %dma_wait3A_413] : memref<819200x128xf32, #tpu.memory_space<hbm>> -> memref<128x128xf32, #tpu.memory_space<hbm>>
      %dma_wait3A_415 = arith.constant 256 : i32
      %dma_wait3A_416 = arith.constant 0 : i32
      %dma_wait3A_417 = tpu.memref_slice %arg8[%dma_wait3A_415, %dma_wait3A_416] : memref<640x128xf32, #tpu.memory_space<vmem>> -> memref<128x128xf32, #tpu.memory_space<vmem>>
      tpu.wait_dma2 semaphore(%arg16 : memref<!tpu.dma_semaphore, #tpu.memory_space<semaphore_mem>>) src(%dma_wait3A_417 : memref<128x128xf32, #tpu.memory_space<vmem>>) dst(%dma_wait3A_414 : memref<128x128xf32, #tpu.memory_space<hbm>>)
      %add3A_418 = arith.constant 5 : i32
      %add3A_419 = arith.addi %mul3A_216, %add3A_418 : i32
      %add3A_420 = arith.constant 2 : i32
      %add3A_421 = arith.addi %add3A_419, %add3A_420 : i32
      %mul3A_422 = arith.constant 128 : i32
      %mul3A_423 = arith.muli %add3A_421, %mul3A_422 : i32
      %dma_start3A_424 = arith.constant 256 : i32
      %dma_start3A_425 = arith.constant 0 : i32
      %dma_start3A_426 = tpu.memref_slice %arg8[%dma_start3A_424, %dma_start3A_425] : memref<640x128xf32, #tpu.memory_space<vmem>> -> memref<128x128xf32, #tpu.memory_space<vmem>>
      %dma_start3A_427 = tpu.memref_slice %arg6[%mul3A_423] : memref<25600xi32, #tpu.memory_space<vmem>> -> memref<128xi32, #tpu.memory_space<vmem>>
      %dma_start3A_428 = arith.constant 0 : i32
      %dma_start3A_429 = arith.constant 0 : i32
      %dma_start3A_430 = tpu.memref_slice %arg2[%dma_start3A_428, %dma_start3A_429] : memref<108192x128xf32, #tpu.memory_space<hbm>> -> memref<108192x128xf32, #tpu.memory_space<hbm>>
      tpu.enqueue_indirect_dma source(%dma_start3A_430 : memref<108192x128xf32, #tpu.memory_space<hbm>>) target(%dma_start3A_426 : memref<128x128xf32, #tpu.memory_space<vmem>>) offsets(%dma_start3A_427 : memref<128xi32, #tpu.memory_space<vmem>>) semaphore(%arg11 : memref<!tpu.dma_semaphore, #tpu.memory_space<semaphore_mem>>)
      %add3A_431 = arith.constant 3 : i32
      %add3A_432 = arith.addi %mul3A_216, %add3A_431 : i32
      %mul3A_433 = arith.constant 128 : i32
      %mul3A_434 = arith.muli %add3A_432, %mul3A_433 : i32
      %add3A_435 = arith.addi %mul3A_2, %mul3A_434 : i32
      %dma_wait3A_436 = arith.constant 384 : i32
      %dma_wait3A_437 = arith.constant 0 : i32
      %dma_wait3A_438 = tpu.memref_slice %arg8[%dma_wait3A_436, %dma_wait3A_437] : memref<640x128xf32, #tpu.memory_space<vmem>> -> memref<128x128xf32, #tpu.memory_space<vmem>>
      %dma_wait3A_439 = arith.constant 0 : i32
      %dma_wait3A_440 = tpu.memref_slice %arg5[%add3A_435, %dma_wait3A_439] : memref<819200x128xf32, #tpu.memory_space<hbm>> -> memref<128x128xf32, #tpu.memory_space<hbm>>
      %dma_wait3A_441 = arith.constant 0 : i32
      %dma_wait3A_442 = tpu.memref_slice %arg5[%add3A_435, %dma_wait3A_441] : memref<819200x128xf32, #tpu.memory_space<hbm>> -> memref<128x128xf32, #tpu.memory_space<hbm>>
      %dma_wait3A_443 = arith.constant 384 : i32
      %dma_wait3A_444 = arith.constant 0 : i32
      %dma_wait3A_445 = tpu.memref_slice %arg8[%dma_wait3A_443, %dma_wait3A_444] : memref<640x128xf32, #tpu.memory_space<vmem>> -> memref<128x128xf32, #tpu.memory_space<vmem>>
      tpu.wait_dma2 semaphore(%arg17 : memref<!tpu.dma_semaphore, #tpu.memory_space<semaphore_mem>>) src(%dma_wait3A_445 : memref<128x128xf32, #tpu.memory_space<vmem>>) dst(%dma_wait3A_442 : memref<128x128xf32, #tpu.memory_space<hbm>>)
      %add3A_446 = arith.constant 5 : i32
      %add3A_447 = arith.addi %mul3A_216, %add3A_446 : i32
      %add3A_448 = arith.constant 3 : i32
      %add3A_449 = arith.addi %add3A_447, %add3A_448 : i32
      %mul3A_450 = arith.constant 128 : i32
      %mul3A_451 = arith.muli %add3A_449, %mul3A_450 : i32
      %dma_start3A_452 = arith.constant 384 : i32
      %dma_start3A_453 = arith.constant 0 : i32
      %dma_start3A_454 = tpu.memref_slice %arg8[%dma_start3A_452, %dma_start3A_453] : memref<640x128xf32, #tpu.memory_space<vmem>> -> memref<128x128xf32, #tpu.memory_space<vmem>>
      %dma_start3A_455 = tpu.memref_slice %arg6[%mul3A_451] : memref<25600xi32, #tpu.memory_space<vmem>> -> memref<128xi32, #tpu.memory_space<vmem>>
      %dma_start3A_456 = arith.constant 0 : i32
      %dma_start3A_457 = arith.constant 0 : i32
      %dma_start3A_458 = tpu.memref_slice %arg2[%dma_start3A_456, %dma_start3A_457] : memref<108192x128xf32, #tpu.memory_space<hbm>> -> memref<108192x128xf32, #tpu.memory_space<hbm>>
      tpu.enqueue_indirect_dma source(%dma_start3A_458 : memref<108192x128xf32, #tpu.memory_space<hbm>>) target(%dma_start3A_454 : memref<128x128xf32, #tpu.memory_space<vmem>>) offsets(%dma_start3A_455 : memref<128xi32, #tpu.memory_space<vmem>>) semaphore(%arg12 : memref<!tpu.dma_semaphore, #tpu.memory_space<semaphore_mem>>)
      %add3A_459 = arith.constant 4 : i32
      %add3A_460 = arith.addi %mul3A_216, %add3A_459 : i32
      %mul3A_461 = arith.constant 128 : i32
      %mul3A_462 = arith.muli %add3A_460, %mul3A_461 : i32
      %add3A_463 = arith.addi %mul3A_2, %mul3A_462 : i32
      %dma_wait3A_464 = arith.constant 512 : i32
      %dma_wait3A_465 = arith.constant 0 : i32
      %dma_wait3A_466 = tpu.memref_slice %arg8[%dma_wait3A_464, %dma_wait3A_465] : memref<640x128xf32, #tpu.memory_space<vmem>> -> memref<128x128xf32, #tpu.memory_space<vmem>>
      %dma_wait3A_467 = arith.constant 0 : i32
      %dma_wait3A_468 = tpu.memref_slice %arg5[%add3A_463, %dma_wait3A_467] : memref<819200x128xf32, #tpu.memory_space<hbm>> -> memref<128x128xf32, #tpu.memory_space<hbm>>
      %dma_wait3A_469 = arith.constant 0 : i32
      %dma_wait3A_470 = tpu.memref_slice %arg5[%add3A_463, %dma_wait3A_469] : memref<819200x128xf32, #tpu.memory_space<hbm>> -> memref<128x128xf32, #tpu.memory_space<hbm>>
      %dma_wait3A_471 = arith.constant 512 : i32
      %dma_wait3A_472 = arith.constant 0 : i32
      %dma_wait3A_473 = tpu.memref_slice %arg8[%dma_wait3A_471, %dma_wait3A_472] : memref<640x128xf32, #tpu.memory_space<vmem>> -> memref<128x128xf32, #tpu.memory_space<vmem>>
      tpu.wait_dma2 semaphore(%arg18 : memref<!tpu.dma_semaphore, #tpu.memory_space<semaphore_mem>>) src(%dma_wait3A_473 : memref<128x128xf32, #tpu.memory_space<vmem>>) dst(%dma_wait3A_470 : memref<128x128xf32, #tpu.memory_space<hbm>>)
      %add3A_474 = arith.constant 5 : i32
      %add3A_475 = arith.addi %mul3A_216, %add3A_474 : i32
      %add3A_476 = arith.constant 4 : i32
      %add3A_477 = arith.addi %add3A_475, %add3A_476 : i32
      %mul3A_478 = arith.constant 128 : i32
      %mul3A_479 = arith.muli %add3A_477, %mul3A_478 : i32
      %dma_start3A_480 = arith.constant 512 : i32
      %dma_start3A_481 = arith.constant 0 : i32
      %dma_start3A_482 = tpu.memref_slice %arg8[%dma_start3A_480, %dma_start3A_481] : memref<640x128xf32, #tpu.memory_space<vmem>> -> memref<128x128xf32, #tpu.memory_space<vmem>>
      %dma_start3A_483 = tpu.memref_slice %arg6[%mul3A_479] : memref<25600xi32, #tpu.memory_space<vmem>> -> memref<128xi32, #tpu.memory_space<vmem>>
      %dma_start3A_484 = arith.constant 0 : i32
      %dma_start3A_485 = arith.constant 0 : i32
      %dma_start3A_486 = tpu.memref_slice %arg2[%dma_start3A_484, %dma_start3A_485] : memref<108192x128xf32, #tpu.memory_space<hbm>> -> memref<108192x128xf32, #tpu.memory_space<hbm>>
      tpu.enqueue_indirect_dma source(%dma_start3A_486 : memref<108192x128xf32, #tpu.memory_space<hbm>>) target(%dma_start3A_482 : memref<128x128xf32, #tpu.memory_space<vmem>>) offsets(%dma_start3A_483 : memref<128xi32, #tpu.memory_space<vmem>>) semaphore(%arg13 : memref<!tpu.dma_semaphore, #tpu.memory_space<semaphore_mem>>)
    }
    %scan3A_54 = arith.constant 39 : i32
    %dma_wait3A = arith.constant 0 : i32
    %dma_wait3A_55 = arith.constant 0 : i32
    %dma_wait3A_56 = tpu.memref_slice %arg8[%dma_wait3A, %dma_wait3A_55] : memref<640x128xf32, #tpu.memory_space<vmem>> -> memref<128x128xf32, #tpu.memory_space<vmem>>
    %dma_wait3A_57 = arith.constant 24960 : i32
    %dma_wait3A_58 = tpu.memref_slice %arg6[%dma_wait3A_57] : memref<25600xi32, #tpu.memory_space<vmem>> -> memref<128xi32, #tpu.memory_space<vmem>>
    %dma_wait3A_59 = arith.constant 0 : i32
    %dma_wait3A_60 = arith.constant 0 : i32
    %dma_wait3A_61 = tpu.memref_slice %arg2[%dma_wait3A_59, %dma_wait3A_60] : memref<108192x128xf32, #tpu.memory_space<hbm>> -> memref<108192x128xf32, #tpu.memory_space<hbm>>
    tpu.wait_indirect_dma semaphore(%arg9 : memref<!tpu.dma_semaphore, #tpu.memory_space<semaphore_mem>>) src(%dma_wait3A_61 : memref<108192x128xf32, #tpu.memory_space<hbm>>) dst(%dma_wait3A_56 : memref<128x128xf32, #tpu.memory_space<vmem>>)
    %add3A_62 = arith.constant 24960 : i32
    %add3A_63 = arith.addi %mul3A_2, %add3A_62 : i32
    %dma_start3A_64 = arith.constant 0 : i32
    %dma_start3A_65 = arith.constant 0 : i32
    %dma_start3A_66 = tpu.memref_slice %arg8[%dma_start3A_64, %dma_start3A_65] : memref<640x128xf32, #tpu.memory_space<vmem>> -> memref<128x128xf32, #tpu.memory_space<vmem>>
    %dma_start3A_67 = arith.constant 0 : i32
    %dma_start3A_68 = tpu.memref_slice %arg5[%add3A_63, %dma_start3A_67] : memref<819200x128xf32, #tpu.memory_space<hbm>> -> memref<128x128xf32, #tpu.memory_space<hbm>>
    %dma_start3A_69 = arith.constant 0 : i32
    %dma_start3A_70 = tpu.memref_slice %arg5[%add3A_63, %dma_start3A_69] : memref<819200x128xf32, #tpu.memory_space<hbm>> -> memref<128x128xf32, #tpu.memory_space<hbm>>
    %dma_start3A_71 = arith.constant 0 : i32
    %dma_start3A_72 = arith.constant 0 : i32
    %dma_start3A_73 = tpu.memref_slice %arg8[%dma_start3A_71, %dma_start3A_72] : memref<640x128xf32, #tpu.memory_space<vmem>> -> memref<128x128xf32, #tpu.memory_space<vmem>>
    tpu.enqueue_dma source(%dma_start3A_73 : memref<128x128xf32, #tpu.memory_space<vmem>>) target(%dma_start3A_70 : memref<128x128xf32, #tpu.memory_space<hbm>>) target_semaphore(%arg14 : memref<!tpu.dma_semaphore, #tpu.memory_space<semaphore_mem>>)
    %dma_wait3A_74 = arith.constant 128 : i32
    %dma_wait3A_75 = arith.constant 0 : i32
    %dma_wait3A_76 = tpu.memref_slice %arg8[%dma_wait3A_74, %dma_wait3A_75] : memref<640x128xf32, #tpu.memory_space<vmem>> -> memref<128x128xf32, #tpu.memory_space<vmem>>
    %dma_wait3A_77 = arith.constant 25088 : i32
    %dma_wait3A_78 = tpu.memref_slice %arg6[%dma_wait3A_77] : memref<25600xi32, #tpu.memory_space<vmem>> -> memref<128xi32, #tpu.memory_space<vmem>>
    %dma_wait3A_79 = arith.constant 0 : i32
    %dma_wait3A_80 = arith.constant 0 : i32
    %dma_wait3A_81 = tpu.memref_slice %arg2[%dma_wait3A_79, %dma_wait3A_80] : memref<108192x128xf32, #tpu.memory_space<hbm>> -> memref<108192x128xf32, #tpu.memory_space<hbm>>
    tpu.wait_indirect_dma semaphore(%arg10 : memref<!tpu.dma_semaphore, #tpu.memory_space<semaphore_mem>>) src(%dma_wait3A_81 : memref<108192x128xf32, #tpu.memory_space<hbm>>) dst(%dma_wait3A_76 : memref<128x128xf32, #tpu.memory_space<vmem>>)
    %add3A_82 = arith.constant 25088 : i32
    %add3A_83 = arith.addi %mul3A_2, %add3A_82 : i32
    %dma_start3A_84 = arith.constant 128 : i32
    %dma_start3A_85 = arith.constant 0 : i32
    %dma_start3A_86 = tpu.memref_slice %arg8[%dma_start3A_84, %dma_start3A_85] : memref<640x128xf32, #tpu.memory_space<vmem>> -> memref<128x128xf32, #tpu.memory_space<vmem>>
    %dma_start3A_87 = arith.constant 0 : i32
    %dma_start3A_88 = tpu.memref_slice %arg5[%add3A_83, %dma_start3A_87] : memref<819200x128xf32, #tpu.memory_space<hbm>> -> memref<128x128xf32, #tpu.memory_space<hbm>>
    %dma_start3A_89 = arith.constant 0 : i32
    %dma_start3A_90 = tpu.memref_slice %arg5[%add3A_83, %dma_start3A_89] : memref<819200x128xf32, #tpu.memory_space<hbm>> -> memref<128x128xf32, #tpu.memory_space<hbm>>
    %dma_start3A_91 = arith.constant 128 : i32
    %dma_start3A_92 = arith.constant 0 : i32
    %dma_start3A_93 = tpu.memref_slice %arg8[%dma_start3A_91, %dma_start3A_92] : memref<640x128xf32, #tpu.memory_space<vmem>> -> memref<128x128xf32, #tpu.memory_space<vmem>>
    tpu.enqueue_dma source(%dma_start3A_93 : memref<128x128xf32, #tpu.memory_space<vmem>>) target(%dma_start3A_90 : memref<128x128xf32, #tpu.memory_space<hbm>>) target_semaphore(%arg15 : memref<!tpu.dma_semaphore, #tpu.memory_space<semaphore_mem>>)
    %dma_wait3A_94 = arith.constant 256 : i32
    %dma_wait3A_95 = arith.constant 0 : i32
    %dma_wait3A_96 = tpu.memref_slice %arg8[%dma_wait3A_94, %dma_wait3A_95] : memref<640x128xf32, #tpu.memory_space<vmem>> -> memref<128x128xf32, #tpu.memory_space<vmem>>
    %dma_wait3A_97 = arith.constant 25216 : i32
    %dma_wait3A_98 = tpu.memref_slice %arg6[%dma_wait3A_97] : memref<25600xi32, #tpu.memory_space<vmem>> -> memref<128xi32, #tpu.memory_space<vmem>>
    %dma_wait3A_99 = arith.constant 0 : i32
    %dma_wait3A_100 = arith.constant 0 : i32
    %dma_wait3A_101 = tpu.memref_slice %arg2[%dma_wait3A_99, %dma_wait3A_100] : memref<108192x128xf32, #tpu.memory_space<hbm>> -> memref<108192x128xf32, #tpu.memory_space<hbm>>
    tpu.wait_indirect_dma semaphore(%arg11 : memref<!tpu.dma_semaphore, #tpu.memory_space<semaphore_mem>>) src(%dma_wait3A_101 : memref<108192x128xf32, #tpu.memory_space<hbm>>) dst(%dma_wait3A_96 : memref<128x128xf32, #tpu.memory_space<vmem>>)
    %add3A_102 = arith.constant 25216 : i32
    %add3A_103 = arith.addi %mul3A_2, %add3A_102 : i32
    %dma_start3A_104 = arith.constant 256 : i32
    %dma_start3A_105 = arith.constant 0 : i32
    %dma_start3A_106 = tpu.memref_slice %arg8[%dma_start3A_104, %dma_start3A_105] : memref<640x128xf32, #tpu.memory_space<vmem>> -> memref<128x128xf32, #tpu.memory_space<vmem>>
    %dma_start3A_107 = arith.constant 0 : i32
    %dma_start3A_108 = tpu.memref_slice %arg5[%add3A_103, %dma_start3A_107] : memref<819200x128xf32, #tpu.memory_space<hbm>> -> memref<128x128xf32, #tpu.memory_space<hbm>>
    %dma_start3A_109 = arith.constant 0 : i32
    %dma_start3A_110 = tpu.memref_slice %arg5[%add3A_103, %dma_start3A_109] : memref<819200x128xf32, #tpu.memory_space<hbm>> -> memref<128x128xf32, #tpu.memory_space<hbm>>
    %dma_start3A_111 = arith.constant 256 : i32
    %dma_start3A_112 = arith.constant 0 : i32
    %dma_start3A_113 = tpu.memref_slice %arg8[%dma_start3A_111, %dma_start3A_112] : memref<640x128xf32, #tpu.memory_space<vmem>> -> memref<128x128xf32, #tpu.memory_space<vmem>>
    tpu.enqueue_dma source(%dma_start3A_113 : memref<128x128xf32, #tpu.memory_space<vmem>>) target(%dma_start3A_110 : memref<128x128xf32, #tpu.memory_space<hbm>>) target_semaphore(%arg16 : memref<!tpu.dma_semaphore, #tpu.memory_space<semaphore_mem>>)
    %dma_wait3A_114 = arith.constant 384 : i32
    %dma_wait3A_115 = arith.constant 0 : i32
    %dma_wait3A_116 = tpu.memref_slice %arg8[%dma_wait3A_114, %dma_wait3A_115] : memref<640x128xf32, #tpu.memory_space<vmem>> -> memref<128x128xf32, #tpu.memory_space<vmem>>
    %dma_wait3A_117 = arith.constant 25344 : i32
    %dma_wait3A_118 = tpu.memref_slice %arg6[%dma_wait3A_117] : memref<25600xi32, #tpu.memory_space<vmem>> -> memref<128xi32, #tpu.memory_space<vmem>>
    %dma_wait3A_119 = arith.constant 0 : i32
    %dma_wait3A_120 = arith.constant 0 : i32
    %dma_wait3A_121 = tpu.memref_slice %arg2[%dma_wait3A_119, %dma_wait3A_120] : memref<108192x128xf32, #tpu.memory_space<hbm>> -> memref<108192x128xf32, #tpu.memory_space<hbm>>
    tpu.wait_indirect_dma semaphore(%arg12 : memref<!tpu.dma_semaphore, #tpu.memory_space<semaphore_mem>>) src(%dma_wait3A_121 : memref<108192x128xf32, #tpu.memory_space<hbm>>) dst(%dma_wait3A_116 : memref<128x128xf32, #tpu.memory_space<vmem>>)
    %add3A_122 = arith.constant 25344 : i32
    %add3A_123 = arith.addi %mul3A_2, %add3A_122 : i32
    %dma_start3A_124 = arith.constant 384 : i32
    %dma_start3A_125 = arith.constant 0 : i32
    %dma_start3A_126 = tpu.memref_slice %arg8[%dma_start3A_124, %dma_start3A_125] : memref<640x128xf32, #tpu.memory_space<vmem>> -> memref<128x128xf32, #tpu.memory_space<vmem>>
    %dma_start3A_127 = arith.constant 0 : i32
    %dma_start3A_128 = tpu.memref_slice %arg5[%add3A_123, %dma_start3A_127] : memref<819200x128xf32, #tpu.memory_space<hbm>> -> memref<128x128xf32, #tpu.memory_space<hbm>>
    %dma_start3A_129 = arith.constant 0 : i32
    %dma_start3A_130 = tpu.memref_slice %arg5[%add3A_123, %dma_start3A_129] : memref<819200x128xf32, #tpu.memory_space<hbm>> -> memref<128x128xf32, #tpu.memory_space<hbm>>
    %dma_start3A_131 = arith.constant 384 : i32
    %dma_start3A_132 = arith.constant 0 : i32
    %dma_start3A_133 = tpu.memref_slice %arg8[%dma_start3A_131, %dma_start3A_132] : memref<640x128xf32, #tpu.memory_space<vmem>> -> memref<128x128xf32, #tpu.memory_space<vmem>>
    tpu.enqueue_dma source(%dma_start3A_133 : memref<128x128xf32, #tpu.memory_space<vmem>>) target(%dma_start3A_130 : memref<128x128xf32, #tpu.memory_space<hbm>>) target_semaphore(%arg17 : memref<!tpu.dma_semaphore, #tpu.memory_space<semaphore_mem>>)
    %dma_wait3A_134 = arith.constant 512 : i32
    %dma_wait3A_135 = arith.constant 0 : i32
    %dma_wait3A_136 = tpu.memref_slice %arg8[%dma_wait3A_134, %dma_wait3A_135] : memref<640x128xf32, #tpu.memory_space<vmem>> -> memref<128x128xf32, #tpu.memory_space<vmem>>
    %dma_wait3A_137 = arith.constant 25472 : i32
    %dma_wait3A_138 = tpu.memref_slice %arg6[%dma_wait3A_137] : memref<25600xi32, #tpu.memory_space<vmem>> -> memref<128xi32, #tpu.memory_space<vmem>>
    %dma_wait3A_139 = arith.constant 0 : i32
    %dma_wait3A_140 = arith.constant 0 : i32
    %dma_wait3A_141 = tpu.memref_slice %arg2[%dma_wait3A_139, %dma_wait3A_140] : memref<108192x128xf32, #tpu.memory_space<hbm>> -> memref<108192x128xf32, #tpu.memory_space<hbm>>
    tpu.wait_indirect_dma semaphore(%arg13 : memref<!tpu.dma_semaphore, #tpu.memory_space<semaphore_mem>>) src(%dma_wait3A_141 : memref<108192x128xf32, #tpu.memory_space<hbm>>) dst(%dma_wait3A_136 : memref<128x128xf32, #tpu.memory_space<vmem>>)
    %add3A_142 = arith.constant 25472 : i32
    %add3A_143 = arith.addi %mul3A_2, %add3A_142 : i32
    %dma_start3A_144 = arith.constant 512 : i32
    %dma_start3A_145 = arith.constant 0 : i32
    %dma_start3A_146 = tpu.memref_slice %arg8[%dma_start3A_144, %dma_start3A_145] : memref<640x128xf32, #tpu.memory_space<vmem>> -> memref<128x128xf32, #tpu.memory_space<vmem>>
    %dma_start3A_147 = arith.constant 0 : i32
    %dma_start3A_148 = tpu.memref_slice %arg5[%add3A_143, %dma_start3A_147] : memref<819200x128xf32, #tpu.memory_space<hbm>> -> memref<128x128xf32, #tpu.memory_space<hbm>>
    %dma_start3A_149 = arith.constant 0 : i32
    %dma_start3A_150 = tpu.memref_slice %arg5[%add3A_143, %dma_start3A_149] : memref<819200x128xf32, #tpu.memory_space<hbm>> -> memref<128x128xf32, #tpu.memory_space<hbm>>
    %dma_start3A_151 = arith.constant 512 : i32
    %dma_start3A_152 = arith.constant 0 : i32
    %dma_start3A_153 = tpu.memref_slice %arg8[%dma_start3A_151, %dma_start3A_152] : memref<640x128xf32, #tpu.memory_space<vmem>> -> memref<128x128xf32, #tpu.memory_space<vmem>>
    tpu.enqueue_dma source(%dma_start3A_153 : memref<128x128xf32, #tpu.memory_space<vmem>>) target(%dma_start3A_150 : memref<128x128xf32, #tpu.memory_space<hbm>>) target_semaphore(%arg18 : memref<!tpu.dma_semaphore, #tpu.memory_space<semaphore_mem>>)
    %add3A_154 = arith.constant 24960 : i32
    %add3A_155 = arith.addi %mul3A_2, %add3A_154 : i32
    %dma_wait3A_156 = arith.constant 0 : i32
    %dma_wait3A_157 = arith.constant 0 : i32
    %dma_wait3A_158 = tpu.memref_slice %arg8[%dma_wait3A_156, %dma_wait3A_157] : memref<640x128xf32, #tpu.memory_space<vmem>> -> memref<128x128xf32, #tpu.memory_space<vmem>>
    %dma_wait3A_159 = arith.constant 0 : i32
    %dma_wait3A_160 = tpu.memref_slice %arg5[%add3A_155, %dma_wait3A_159] : memref<819200x128xf32, #tpu.memory_space<hbm>> -> memref<128x128xf32, #tpu.memory_space<hbm>>
    %dma_wait3A_161 = arith.constant 0 : i32
    %dma_wait3A_162 = tpu.memref_slice %arg5[%add3A_155, %dma_wait3A_161] : memref<819200x128xf32, #tpu.memory_space<hbm>> -> memref<128x128xf32, #tpu.memory_space<hbm>>
    %dma_wait3A_163 = arith.constant 0 : i32
    %dma_wait3A_164 = arith.constant 0 : i32
    %dma_wait3A_165 = tpu.memref_slice %arg8[%dma_wait3A_163, %dma_wait3A_164] : memref<640x128xf32, #tpu.memory_space<vmem>> -> memref<128x128xf32, #tpu.memory_space<vmem>>
    tpu.wait_dma2 semaphore(%arg14 : memref<!tpu.dma_semaphore, #tpu.memory_space<semaphore_mem>>) src(%dma_wait3A_165 : memref<128x128xf32, #tpu.memory_space<vmem>>) dst(%dma_wait3A_162 : memref<128x128xf32, #tpu.memory_space<hbm>>)
    %add3A_166 = arith.constant 25088 : i32
    %add3A_167 = arith.addi %mul3A_2, %add3A_166 : i32
    %dma_wait3A_168 = arith.constant 128 : i32
    %dma_wait3A_169 = arith.constant 0 : i32
    %dma_wait3A_170 = tpu.memref_slice %arg8[%dma_wait3A_168, %dma_wait3A_169] : memref<640x128xf32, #tpu.memory_space<vmem>> -> memref<128x128xf32, #tpu.memory_space<vmem>>
    %dma_wait3A_171 = arith.constant 0 : i32
    %dma_wait3A_172 = tpu.memref_slice %arg5[%add3A_167, %dma_wait3A_171] : memref<819200x128xf32, #tpu.memory_space<hbm>> -> memref<128x128xf32, #tpu.memory_space<hbm>>
    %dma_wait3A_173 = arith.constant 0 : i32
    %dma_wait3A_174 = tpu.memref_slice %arg5[%add3A_167, %dma_wait3A_173] : memref<819200x128xf32, #tpu.memory_space<hbm>> -> memref<128x128xf32, #tpu.memory_space<hbm>>
    %dma_wait3A_175 = arith.constant 128 : i32
    %dma_wait3A_176 = arith.constant 0 : i32
    %dma_wait3A_177 = tpu.memref_slice %arg8[%dma_wait3A_175, %dma_wait3A_176] : memref<640x128xf32, #tpu.memory_space<vmem>> -> memref<128x128xf32, #tpu.memory_space<vmem>>
    tpu.wait_dma2 semaphore(%arg15 : memref<!tpu.dma_semaphore, #tpu.memory_space<semaphore_mem>>) src(%dma_wait3A_177 : memref<128x128xf32, #tpu.memory_space<vmem>>) dst(%dma_wait3A_174 : memref<128x128xf32, #tpu.memory_space<hbm>>)
    %add3A_178 = arith.constant 25216 : i32
    %add3A_179 = arith.addi %mul3A_2, %add3A_178 : i32
    %dma_wait3A_180 = arith.constant 256 : i32
    %dma_wait3A_181 = arith.constant 0 : i32
    %dma_wait3A_182 = tpu.memref_slice %arg8[%dma_wait3A_180, %dma_wait3A_181] : memref<640x128xf32, #tpu.memory_space<vmem>> -> memref<128x128xf32, #tpu.memory_space<vmem>>
    %dma_wait3A_183 = arith.constant 0 : i32
    %dma_wait3A_184 = tpu.memref_slice %arg5[%add3A_179, %dma_wait3A_183] : memref<819200x128xf32, #tpu.memory_space<hbm>> -> memref<128x128xf32, #tpu.memory_space<hbm>>
    %dma_wait3A_185 = arith.constant 0 : i32
    %dma_wait3A_186 = tpu.memref_slice %arg5[%add3A_179, %dma_wait3A_185] : memref<819200x128xf32, #tpu.memory_space<hbm>> -> memref<128x128xf32, #tpu.memory_space<hbm>>
    %dma_wait3A_187 = arith.constant 256 : i32
    %dma_wait3A_188 = arith.constant 0 : i32
    %dma_wait3A_189 = tpu.memref_slice %arg8[%dma_wait3A_187, %dma_wait3A_188] : memref<640x128xf32, #tpu.memory_space<vmem>> -> memref<128x128xf32, #tpu.memory_space<vmem>>
    tpu.wait_dma2 semaphore(%arg16 : memref<!tpu.dma_semaphore, #tpu.memory_space<semaphore_mem>>) src(%dma_wait3A_189 : memref<128x128xf32, #tpu.memory_space<vmem>>) dst(%dma_wait3A_186 : memref<128x128xf32, #tpu.memory_space<hbm>>)
    %add3A_190 = arith.constant 25344 : i32
    %add3A_191 = arith.addi %mul3A_2, %add3A_190 : i32
    %dma_wait3A_192 = arith.constant 384 : i32
    %dma_wait3A_193 = arith.constant 0 : i32
    %dma_wait3A_194 = tpu.memref_slice %arg8[%dma_wait3A_192, %dma_wait3A_193] : memref<640x128xf32, #tpu.memory_space<vmem>> -> memref<128x128xf32, #tpu.memory_space<vmem>>
    %dma_wait3A_195 = arith.constant 0 : i32
    %dma_wait3A_196 = tpu.memref_slice %arg5[%add3A_191, %dma_wait3A_195] : memref<819200x128xf32, #tpu.memory_space<hbm>> -> memref<128x128xf32, #tpu.memory_space<hbm>>
    %dma_wait3A_197 = arith.constant 0 : i32
    %dma_wait3A_198 = tpu.memref_slice %arg5[%add3A_191, %dma_wait3A_197] : memref<819200x128xf32, #tpu.memory_space<hbm>> -> memref<128x128xf32, #tpu.memory_space<hbm>>
    %dma_wait3A_199 = arith.constant 384 : i32
    %dma_wait3A_200 = arith.constant 0 : i32
    %dma_wait3A_201 = tpu.memref_slice %arg8[%dma_wait3A_199, %dma_wait3A_200] : memref<640x128xf32, #tpu.memory_space<vmem>> -> memref<128x128xf32, #tpu.memory_space<vmem>>
    tpu.wait_dma2 semaphore(%arg17 : memref<!tpu.dma_semaphore, #tpu.memory_space<semaphore_mem>>) src(%dma_wait3A_201 : memref<128x128xf32, #tpu.memory_space<vmem>>) dst(%dma_wait3A_198 : memref<128x128xf32, #tpu.memory_space<hbm>>)
    %add3A_202 = arith.constant 25472 : i32
    %add3A_203 = arith.addi %mul3A_2, %add3A_202 : i32
    %dma_wait3A_204 = arith.constant 512 : i32
    %dma_wait3A_205 = arith.constant 0 : i32
    %dma_wait3A_206 = tpu.memref_slice %arg8[%dma_wait3A_204, %dma_wait3A_205] : memref<640x128xf32, #tpu.memory_space<vmem>> -> memref<128x128xf32, #tpu.memory_space<vmem>>
    %dma_wait3A_207 = arith.constant 0 : i32
    %dma_wait3A_208 = tpu.memref_slice %arg5[%add3A_203, %dma_wait3A_207] : memref<819200x128xf32, #tpu.memory_space<hbm>> -> memref<128x128xf32, #tpu.memory_space<hbm>>
    %dma_wait3A_209 = arith.constant 0 : i32
    %dma_wait3A_210 = tpu.memref_slice %arg5[%add3A_203, %dma_wait3A_209] : memref<819200x128xf32, #tpu.memory_space<hbm>> -> memref<128x128xf32, #tpu.memory_space<hbm>>
    %dma_wait3A_211 = arith.constant 512 : i32
    %dma_wait3A_212 = arith.constant 0 : i32
    %dma_wait3A_213 = tpu.memref_slice %arg8[%dma_wait3A_211, %dma_wait3A_212] : memref<640x128xf32, #tpu.memory_space<vmem>> -> memref<128x128xf32, #tpu.memory_space<vmem>>
    tpu.wait_dma2 semaphore(%arg18 : memref<!tpu.dma_semaphore, #tpu.memory_space<semaphore_mem>>) src(%dma_wait3A_213 : memref<128x128xf32, #tpu.memory_space<vmem>>) dst(%dma_wait3A_210 : memref<128x128xf32, #tpu.memory_space<hbm>>)
    return
  }
}

</mosaic_0001>

<sc_bundles>
// kernel: kernel.3.cloned.1.call-start
scs
__scs_entry_jumppad:
0x0: {  	(pc) =	sbr.rel $0x88, $3  }
0x1: {  	(tag) =	ssettag $0x0;
	lr =	simm.s32 $0x1  }
0x2: {  	[smem:$0x3F9E] =	sst lr;
	_ =	strace $0xD0000000  }
0x3: {  	_ = 	snop  }
0x4: {  	_ = 	snop  }
0x5: {  	_ = 	snop  }
0x6: {  	_ = 	snop  }
0x7: {  	_ = 	snop  }
__scs_overlays_trampoline_lowered:
0x8: {  	[smem:$0x3FAD] =	sst s0  }
0x9: {  	[smem:$0x3FAE] =	sst s1  }
0xa: {  	[smem:$0x3FAF] =	sst s2  }
0xb: {  	[smem:$0x3FB0] =	sst s3  }
0xc: {  	[smem:$0x3FB1] =	sst s4  }
0xd: {  	[smem:$0x3FB2] =	sst s5  }
0xe: {  	[smem:$0x3FB3] =	sst s6  }
0xf: {  	[smem:$0x3FB4] =	sst s7  }
0x10: {  	[smem:$0x3FB5] =	sst s8  }
0x11: {  	[smem:$0x3FB6] =	sst s9;
	s0 =	simm.s32 @!p0 $0x0  }
0x12: {  	s1 =	sld [smem:$0x3F9C];
	s0 =	simm.s32 @p0 $0x1  }
0x13: {  	[smem:$0x3FB7] =	sst s0;
	s0 =	simm.s32 @!p1 $0x0  }
0x14: {  	s2 =	sld [smem:$0x3F9B];
	s0 =	simm.s32 @p1 $0x1  }
0x15: {  	[smem:$0x3FB8] =	sst s0;
	s0 =	simm.s32 @!p2 $0x0  }
0x16: {  	s3 =	sld [smem:$0x3FDB];
	s0 =	simm.s32 @p2 $0x1  }
0x17: {  	s4 =	simm.s32 $0x1BF5;
	[smem:$0x3FBA] =	sst s0  }
0x18: {  	s0 =	sld [smem:$0x3F9D];
	_ =	swait.ge [sflag:s4], $0x0  }
0x19: {  	s7 =	sld [smem:$0x3F9E]  }
0x1a: {  	s8 =	sadd.s32 $0xFFFFE003, lr  }
0x1b: {  	s9 =	sadd.s32 $0xFFFFFEF7, lr;
	s5 =	simm.s32 $0xFFFFFFFF;
	p2 =	slt.u32 s8, $0xFFFFF086  }
0x1c: {  	p1 =	slt.u32 s9, $0xF7A;
	s5 =	simm.s32 @!p2 $0x0  }
0x1d: {  	s5 =	simm.s32 @p1 $0x1;
	p0 =	seq.s32 s7, s2  }
0x1e: {  	s7 =	smul.u32 @!p0 $0xF7A, s2;
	p2 =	seq.s32 @!p0 s5, $0x0  }
0x1f: {  	s9 =	smul.u32 $0xF7A, s1;
	s8 =	simm.s32 @!p0 $0x1BF5;
	p2 =	por !p2, p0  }
0x20: {  	[sflag:s8] =	ssyncset.s32 @!p0 $0xFFFFF086;
	s6 =	sadd.s32 @!p0 s3, s7;
	s7 =	simm.s32 @!p0 $0x108  }
0x21: {  	s3 =	sadd.s32 s3, s9;
	s6 =	sadd.s32 @!p0 $0x88, s6;
	s7 =	simm.s32 @p2 $0x1082  }
0x22: {  	[simem:s7], [sflag:s8] =	dma.local @!p0 [hbm:s6], $0xF7A  }
0x23: {  	s9 =	sor.u32 $0xD0000000, s2;
	s6 =	simm.s32 $0x108;
	_ =	swait.ge @!p0 [sflag:s8], $0x0  }
0x24: {  	s3 =	sadd.s32 $0x88, s3;
	s6 =	simm.s32 @!p1 $0x1082;
	[sflag:s4] =	ssyncset.s32 $0xFFFFF086  }
0x25: {  	[simem:s6], [sflag:s4] =	dma.local [hbm:s3], $0xF7A  }
0x26: {  	[smem:$0x3F9E] =	sst s1;
	(tag) =	ssettag s2;
	_ =	strace s9  }
0x27: {  	s1 =	sld [smem:$0x3FAE]  }
0x28: {  	s2 =	sld [smem:$0x3FAF]  }
0x29: {  	s4 =	sld [smem:$0x3FB1]  }
0x2a: {  	p0 =	seq.s32 s5, $0x0;
	s5 =	sld [smem:$0x3FB2]  }
0x2b: {  	s6 =	sld [smem:$0x3FB3]  }
0x2c: {  	s7 =	sld [smem:$0x3FB4]  }
0x2d: {  	s3 =	simm.s32 $0x108;
	s8 =	sld [smem:$0x3FB5]  }
0x2e: {  	s3 =	simm.s32 @!p0 $0x1082;
	s9 =	sld [smem:$0x3FB6]  }
0x2f: {  	lr =	sadd.s32 s0, s3;
	s0 =	sld [smem:$0x3FAD]  }
0x30: {  	s3 =	sld [smem:$0x3FB0]  }
0x31: {  	[smem:$0x3FB9] =	sst s10  }
0x32: {  	s10 =	sld [smem:$0x3FB7];
	_ =	sdelay $0x3  }
0x33: {  	p0 =	seq.s32 s10, $0x1;
	s10 =	sld [smem:$0x3FB9];
	_ =	sdelay $0x3  }
0x34: {  	[smem:$0x3FB9] =	sst s10  }
0x35: {  	s10 =	sld [smem:$0x3FB8];
	_ =	sdelay $0x3  }
0x36: {  	p1 =	seq.s32 s10, $0x1;
	s10 =	sld [smem:$0x3FB9];
	_ =	sdelay $0x3  }
0x37: {  	[smem:$0x3FB9] =	sst s10  }
0x38: {  	s10 =	sld [smem:$0x3FBA]  }
0x39: {  	_ = 	snop;
	(pc) =	sbr.ind lr, $3  }
0x3a: {  	_ = 	snop  }
0x3b: {  	_ = 	snop  }
0x3c: {  	p2 =	seq.s32 s10, $0x1;
	s10 =	sld [smem:$0x3FB9]  }
0x3d: {  	_ =	shalt  }
0x3e: {  	_ =	shalt  }
0x3f: {  	_ =	shalt  }
0x40: {  	_ =	shalt  }
0x41: {  	_ =	shalt  }
0x42: {  	_ =	shalt  }
0x43: {  	_ =	shalt  }
0x44: {  	_ =	shalt  }
0x45: {  	_ =	shalt  }
0x46: {  	_ =	shalt  }
0x47: {  	_ =	shalt  }
0x48: {  	_ =	shalt  }
0x49: {  	_ =	shalt  }
0x4a: {  	_ =	shalt  }
0x4b: {  	_ =	shalt  }
0x4c: {  	_ =	shalt  }
0x4d: {  	_ =	shalt  }
0x4e: {  	_ =	shalt  }
0x4f: {  	_ =	shalt  }
0x50: {  	_ =	shalt  }
0x51: {  	_ =	shalt  }
0x52: {  	_ =	shalt  }
0x53: {  	_ =	shalt  }
0x54: {  	_ =	shalt  }
0x55: {  	_ =	shalt  }
0x56: {  	_ =	shalt  }
0x57: {  	_ =	shalt  }
0x58: {  	_ =	shalt  }
0x59: {  	_ =	shalt  }
0x5a: {  	_ =	shalt  }
0x5b: {  	_ =	shalt  }
0x5c: {  	_ =	shalt  }
0x5d: {  	_ =	shalt  }
0x5e: {  	_ =	shalt  }
0x5f: {  	_ =	shalt  }
0x60: {  	_ =	shalt  }
0x61: {  	_ =	shalt  }
0x62: {  	_ =	shalt  }
0x63: {  	_ =	shalt  }
0x64: {  	_ =	shalt  }
0x65: {  	_ =	shalt  }
0x66: {  	_ =	shalt  }
0x67: {  	_ =	shalt  }
0x68: {  	_ =	shalt  }
0x69: {  	_ =	shalt  }
0x6a: {  	_ =	shalt  }
0x6b: {  	_ =	shalt  }
0x6c: {  	_ =	shalt  }
0x6d: {  	_ =	shalt  }
0x6e: {  	_ =	shalt  }
0x6f: {  	_ =	shalt  }
0x70: {  	_ =	shalt  }
0x71: {  	_ =	shalt  }
0x72: {  	_ =	shalt  }
0x73: {  	_ =	shalt  }
0x74: {  	_ =	shalt  }
0x75: {  	_ =	shalt  }
0x76: {  	_ =	shalt  }
0x77: {  	_ =	shalt  }
0x78: {  	_ =	shalt  }
0x79: {  	_ =	shalt  }
0x7a: {  	_ =	shalt  }
0x7b: {  	_ =	shalt  }
0x7c: {  	_ =	shalt  }
0x7d: {  	_ =	shalt  }
0x7e: {  	_ =	shalt  }
0x7f: {  	_ =	shalt  }
0x80: {  	_ =	shalt  }
0x81: {  	_ =	shalt  }
0x82: {  	_ =	shalt  }
0x83: {  	_ =	shalt  }
0x84: {  	_ =	shalt  }
0x85: {  	_ =	shalt  }
0x86: {  	_ =	shalt  }
0x87: {  	_ =	shalt  }
.Lfunc_end0:
.L_simem_size_0:
called_computation_lowered:
.L_overlay_start_0:
0x88: {  	s2 =	sld [smem:$0x3FD9]  }
0x89: {  	s3 =	sld [smem:$0x3FFE];
	_ =	sdelay $0x1  }
0x8a: {  	s1 =	srdreg.scid  }
0x8b: {  	s0 =	sand.u32 $0x1, s1  }
0x8c: {  	s17 =	sshll.u32 s0, $0xA;
	s2 =	sadd.s32 s3, s2  }
0x8d: {  	s2 =	sadd.s32 s2, s17  }
0x8e: {  	[smem:$0x3FC5] =	sst s2  }
0x8f: {  	_ = 	snop  }
0x90: {  	s2 =	sld [smem:$0x3FC8]  }
0x91: {  	s18 =	sld [smem:$0x3FD0];
	(tm) =	ssettm $0x1  }
0x92: {  	s4 =	sld [smem:$0x3FFB];
	_ =	sdelay $0x3  }
0x93: {  	_ =	strace s4  }
0x94: {  	s4 =	sld [smem:$0x3FFC];
	_ =	sdelay $0x3  }
0x95: {  	_ =	strace s4  }
0x96: {  	s4 =	sld [smem:$0x3FFD];
	_ =	sdelay $0x3  }
0x97: {  	_ =	strace s4  }
0x98: {  	_ =	strace $0x8FFFFFFF  }
0x99: {  	s19 =	sld [smem:$0x3FDB];
	_ =	sdelay $0x1  }
0x9a: {  	s5 =	simm.s32 $_scs_section_size  }
0x9b: {  	s6 =	simm.s32 $_size__tile_overlayer_lowered;
	s7 =	simm.s32 $_tile_overlayer_lowered  }
0x9c: {  	s22 =	simm.s32 $0x1BFF;
	s21 =	sshll.u32 s7, $0x1;
	s4 =	sadd.s32 s5, s19  }
0x9d: {  	s8 =	simm.s32 $0x0;
	s20 =	sshll.u32 s6, $0x1;
	s6 =	sadd.s32 s21, s4  }
0x9e: {  	[timem:s8], [sflag:s22] =	dma.local [hbm:s6], s20  }
0x9f: {  	_ =	swait.ge [sflag:s22], s20  }
0xa0: {  	s5 =	ssub.s32 $0x0, s20;
	[sflag:s22] =	ssyncset.done $0x0  }
0xa1: {  	[sflag:s22] =	ssyncadd.s32 s5;
	_ =	sdelay $0x1  }
0xa2: {  	s23 =	simm.s32 $0x1B8B  }
0xa3: {  	_ =	swait.ge [sflag:s23], $0x1  }
0xa4: {  	[sflag:s23] =	ssyncset.done $0x0  }
0xa5: {  	s25 =	simm.s32 $0x1B8E;
	s24 =	sld [smem:$0x3FFE];
	[sflag:s23] =	ssyncadd.s32 $0xFFFFFFFF  }
0xa6: {  	s26 =	simm.s32 $execute0_lowered;
	[smem:$0x3FD2] =	sst s25  }
0xa7: {  	s6 =	sshll.u32 s26, $0x1;
	_ =	strace $0x80000046;
	[dreg:$0x1] =	wrdreg $0xFFFFFFFF  }
0xa8: {  	s28 =	simm.s32 $_size_execute0_lowered;
	s4 =	sadd.s32 s4, s6;
	[dreg:$0x0] =	wrdreg $0x0  }
0xa9: {  	s6 =	sshll.u32 s28, $0x1;
	[dreg:$0x2] =	wrdreg s4  }
0xaa: {  	[dreg:$0x3] =	wrdreg s6  }
0xab: {  	[dreg:$0x4] =	wrdreg $0xC0  }
0xac: {  	_ =	task [dreg:s8], $0x5FFFF  }
0xad: {  	[dreg:$0x1] =	wrdreg $0xFFFFFFFF  }
0xae: {  	[dreg:$0x0] =	wrdreg $0x60  }
0xaf: {  	[dreg:$0x2] =	wrdreg s24  }
0xb0: {  	[dreg:$0x3] =	wrdreg s2  }
0xb1: {  	[dreg:$0x4] =	wrdreg s18  }
0xb2: {  	[dreg:$0x5] =	wrdreg $0x9  }
0xb3: {  	_ =	task.clear_ibuf [dreg:s8], $0x6FFFF;
	_ =	strace $0x90000046  }
0xb4: {  	s29 =	simm.s32 $0x9;
	_ =	strace $0x80000048  }
0xb5: {  	_ =	swait.ge [sflag:s29], $0x1  }
0xb6: {  	[sflag:s29] =	ssyncadd.s32 $0xFFFFFFFF  }
0xb7: {  	_ =	strace $0x90000048  }
0xb8: {  	_ =	sfence  }
0xb9: {  	s30 =	sld [smem:$0x0];
	_ =	sdelay $0x2  }
0xba: {  	s31 =	sshll.u32 s1, $0xD;
	s1 =	sshrl.u32 s1, $0x2  }
0xbb: {  	s3 =	sand.u32 $0x4000, s31;
	s1 =	sadd.s32 s1, s30  }
0xbc: {  	s0 =	sor.u32 s3, s0;
	s1 =	sshll.u32 s1, $0x11  }
0xbd: {  	s0 =	sor.u32 s1, s0  }
0xbe: {  	s0 =	sadd.s32 $0x8F2B, s0  }
0xbf: {  	[sflag:s0] =	ssyncadd.remote.s32 $0x1  }
0xc0: {  	_ =	sfence.sel $0xFFFF  }
0xc1: {  	[dreg:$0x0] =	wrdreg $0xFFFFFFFF;
	(pc) =	sbr.abs _section_cstart, $3  }
0xc2: {  	[dreg:$0x1] =	wrdreg $0xFFFFFFFF  }
0xc3: {  	_ =	task.clear_ibuf [dreg:s8], $0x2FFFF;
	_ =	strace $0x9FFFFFFF  }
0xc4: {  	(tm) =	ssettm $0x7FFFFFFF  }
0xc5: {  	_ =	shalt  }
tec
execute0_lowered:
.L_overlay_start_1:
0x0: {  	(tag) =	ssettag $0x1  }
0x1: {  	s0 =	rddreg [dreg:$0x0]  }
0x2: {  	s1 =	rddreg [dreg:$0x1];
	s2 =	srdreg.scid  }
0x3: {  	s10 =	stileid.u32;
	s4 =	rddreg [dreg:$0x2]  }
0x4: {  	s13 =	simm.s32 $0xB;
	s15 =	simm.s32 $0x80;
	s16 =	simm.s32 $0x6480  }
0x5: {  	s17 =	simm.s32 $0xA480;
	s19 =	simm.s32 $0xE480;
	s28 =	simm.s32 $0x4  }
0x6: {  	s29 =	simm.s32 $0x5;
	s30 =	simm.s32 $0x6;
	s31 =	simm.s32 $0x7  }
0x7: {  	s18 =	simm.s32 $0x0;
	s5 =	sand.u32 $0x1, s2;
	s3 =	sshll.u32 s10, $0x1  }
0x8: {  	s2 =	simm.s32 $0x0;
	s23 =	smul.u32 $0xC8000, s10;
	s6 =	sor.u32 s5, s3  }
0x9: {  	[smem:$0x7FF] =	sst s2;
	s8 =	ssub.s32 $0x2, s5;
	s25 =	smul.u32 $0x64000, s5  }
0xa: {  	s3 =	sadd.s32 $0x19400, s0;
	s14 =	smul.u32 $0x6400, s6;
	_ =	strace $0x80000047  }
0xb: {  	s9 =	smul.u32 $0x320000, s6;
	s21 =	sshrl.u32 s8, $0x1;
	s6 =	sshll.u32 s6, $0x4  }
0xc: {  	s11 =	ssub.s32 s8, s21;
	s1 =	sadd.s32 s1, s6;
	s7 =	sshrl.u32 s14, $0x3  }
0xd: {  	s21 =	simm.s32 $0x12480;
	s22 =	sshrl.u32 s9, $0x3;
	s0 =	sadd.s32 s7, s0  }
0xe: {  	[dreg:$0x5] =	wrdreg s1;
	s11 =	smax.u32 s11, $0x1;
	s0 =	sadd.s32 $0x400, s0  }
0xf: {  	s1 =	simm.s32 $0x8;
	v1 =	vmov s14;
	s14 =	simm.s32 $0xA;
	[dreg:$0x4] =	wrdreg s0  }
0x10: {  	s0 =	sadd.s32 s4, s22;
	s4 =	sadd.s32 s23, s4;
	s23 =	simm.s32 $0x16480  }
0x11: {  	s24 =	sadd.s32 $0x61800, s0;
	s7 =	sadd.s32 $0x62000, s0;
	s8 =	sadd.s32 $0x62800, s0  }
0x12: {  	s9 =	sadd.s32 $0x63000, s0;
	s10 =	sadd.s32 $0x63800, s0;
	s26 =	sadd.s32 s25, s4  }
0x13: {  	v0 =	vlaneseq.u32;
	s25 =	simm.s32 $0x2;
	s0 =	simm.s32 $0x9;
	[dreg:$0x6] =	wrdreg s24  }
0x14: {  	v2 =	vmul.u32 $0xFFFFFFFF, v0;
	s12 =	sadd.s32 $0x2000, s26;
	s24 =	simm.s32 $0x1;
	s26 =	simm.s32 $0x3  }
.LBB2_1:
0x15: {  	s4 =	rddreg [dreg:$0x4]  }
0x16: {  	[tilespmem:s2], [sflag:$0xB] =	stream.linear.gather [hbm4b:s4+s2], $0x6400, $0x38;
	[tilespmem:$0x1A480] =	vst v63  }
0x17: {  	_ =	swait.ge [sflag:s13], $0x6400  }
0x18: {  	[sflag:s13] =	ssyncset.done $0x0  }
0x19: {  	s5 =	simm.s32 $0x6400;
	s20 =	rddreg [dreg:$0x5];
	[sflag:s13] =	ssyncadd.s32 $0xFFFF9C00  }
0x1a: {  	[tilespmem:s5], [sflag:$0xB] =	stream.linear.gather [hbm4b:s20+s2], $0x80, $0x38;
	[tilespmem:$0x1A480] =	vst v63  }
0x1b: {  	_ =	swait.ge [sflag:s13], $0x80  }
0x1c: {  	s22 =	simm.s32 $0x0;
	[sflag:s13] =	ssyncset.done $0x0  }
0x1d: {  	s4 =	smin.u32 s22, $0x70;
	[sflag:s13] =	ssyncadd.s32 $0xFFFFFF80  }
0x1e: {  	v3 =	vor.u32 s2, v0;
	v4 =	vld [tilespmem:s4+$0x6400]  }
0x1f: {  	v5 =	vmul.u32 $0x28F6, v3;
	_ =	sdelay $0x1  }
0x20: {  	v6 =	vmov s4;
	v5 =	vshrl.u32 v5, $0x15  }
0x21: {  	v6 =	vsub.s32 v5, v6;
	v5 =	vmul.u32 $0xC8, v5  }
0x22: {  	v7 =	vmov s2;
	v63 =	vld [tilespmem:s2+$0x0];
	v4 =	vperm.xlane v4, v6  }
0x23: {  	v5 =	vsub.s32 v5, v7  }
0x24: {  	v3 =	vadd.s32 v1, v3;
	v4 =	vadd.s32 v4, v5  }
0x25: {  	v3 =	vand.u32 $0x1FFF, v3;
	v4 =	vadd.s32 v2, v4  }
0x26: {  	s6 =	simm.s32 $0x0;
	s22 =	simm.s32 $0x0;
	v3 =	vadd.s32 $0x186A0, v3;
	vm0 =	vgt.s32 v4, $0x0  }
0x27: {  	s20 =	simm.s32 $0x10;
	s5 =	simm.s32 $0x20;
	s4 =	simm.s32 $0x28F60;
	v3 =	vsel vm0, v63, v3  }
.LBB2_2:
0x28: {  	p0 =	sne.s32 s5, $0x63F0;
	s6 =	smin.u32 s6, $0x70;
	[tilespmem:s22+$0x0] =	vst v3  }
0x29: {  	v3 =	vor.u32 s20, v0;
	v4 =	vld [tilespmem:s6+$0x6400]  }
0x2a: {  	v5 =	vmul.u32 $0x28F6, v3;
	_ =	sdelay $0x1  }
0x2b: {  	v6 =	vmov s6;
	v5 =	vshrl.u32 v5, $0x15  }
0x2c: {  	s22 =	sadd.s32 $0x10, s22;
	v6 =	vsub.s32 v5, v6;
	v5 =	vmul.u32 $0xC8, v5  }
0x2d: {  	v7 =	vmov s20;
	s20 =	smov.u32 s5;
	v4 =	vperm.xlane v4, v6;
	v6 =	vld [tilespmem:s22+$0x0]  }
.Ltmp0:
0x2e: {  	v5 =	vsub.s32 v5, v7;
	(pc) =	sbr.rel @p0 .LBB2_2-.Ltmp0, $4  }
0x2f: {  	v3 =	vadd.s32 v1, v3;
	v4 =	vadd.s32 v4, v5  }
0x30: {  	v3 =	vand.u32 $0x1FFF, v3;
	v4 =	vadd.s32 v2, v4  }
0x31: {  	s4 =	sadd.s32 $0x28F60, s4;
	v3 =	vadd.s32 $0x186A0, v3;
	vm0 =	vgt.s32 v4, $0x0  }
0x32: {  	s5 =	sadd.s32 $0x10, s5;
	s6 =	sshrl.u32 s4, $0x15;
	v3 =	vsel vm0, v6, v3  }
0x33: {  	s4 =	smin.u32 s6, $0x70;
	[tilespmem:s22+$0x0] =	vst v3  }
0x34: {  	v3 =	vor.u32 s20, v0;
	v4 =	vld [tilespmem:s4+$0x6400]  }
0x35: {  	v5 =	vmul.u32 $0x28F6, v3;
	_ =	sdelay $0x1  }
0x36: {  	v6 =	vmov s4;
	v5 =	vshrl.u32 v5, $0x15  }
0x37: {  	s22 =	sadd.s32 $0x10, s22;
	v6 =	vsub.s32 v5, v6;
	v5 =	vmul.u32 $0xC8, v5  }
0x38: {  	v7 =	vmov s20;
	v63 =	vld [tilespmem:s22+$0x0];
	v4 =	vperm.xlane v4, v6  }
0x39: {  	v5 =	vsub.s32 v5, v7  }
0x3a: {  	v3 =	vadd.s32 v1, v3;
	v4 =	vadd.s32 v4, v5  }
0x3b: {  	v3 =	vand.u32 $0x1FFF, v3;
	v4 =	vadd.s32 v2, v4  }
0x3c: {  	v3 =	vadd.s32 $0x186A0, v3;
	vm0 =	vgt.s32 v4, $0x0  }
0x3d: {  	v3 =	vsel vm0, v63, v3  }
0x3e: {  	s5 =	simm.s32 $0x0;
	[tilespmem:s22+$0x0] =	vst v3  }
0x3f: {  	[tilespmem:s16], [sflag:$0x1] =	stream.indirect.gather [hbm4b:s3+s15], $0x80, s5, s15, $0xb8;
	[tilespmem:$0x1A480] =	vst v63  }
0x40: {  	_ = 	snop  }
0x41: {  	[tilespmem:s17], [sflag:$0x2] =	stream.indirect.gather [hbm4b:s3+s15], $0x80, s15, s15, $0xb8;
	[tilespmem:$0x1A480] =	vst v63  }
0x42: {  	s6 =	simm.s32 $0x100  }
0x43: {  	[tilespmem:s19], [sflag:$0x3] =	stream.indirect.gather [hbm4b:s3+s15], $0x80, s6, s15, $0xb8;
	[tilespmem:$0x1A480] =	vst v63  }
0x44: {  	s20 =	simm.s32 $0x180  }
0x45: {  	[tilespmem:s21], [sflag:$0x4] =	stream.indirect.gather [hbm4b:s3+s15], $0x80, s20, s15, $0xb8;
	[tilespmem:$0x1A480] =	vst v63  }
0x46: {  	s22 =	simm.s32 $0x200  }
0x47: {  	[tilespmem:s23], [sflag:$0x5] =	stream.indirect.gather [hbm4b:s3+s15], $0x80, s22, s15, $0xb8;
	[tilespmem:$0x1A480] =	vst v63  }
0x48: {  	_ =	swait.ge [sflag:s24], $0x4000  }
0x49: {  	[sflag:s24] =	ssyncset.done $0x0  }
0x4a: {  	s5 =	sadd.s32 $0xFFFFE000, s12;
	[sflag:s24] =	ssyncadd.s32 $0xFFFFC000  }
0x4b: {  	[hbm4b:s5+s2] =	stream.linear.scatter [tilespmem:s16], [sflag:$0x6], $0x4000, $0x38;
	[tilespmem:$0x1A480] =	vst v63  }
0x4c: {  	_ =	swait.ge [sflag:s25], $0x4000  }
0x4d: {  	[sflag:s25] =	ssyncset.done $0x0  }
0x4e: {  	s6 =	sadd.s32 $0xFFFFE800, s12;
	[sflag:s25] =	ssyncadd.s32 $0xFFFFC000  }
0x4f: {  	[hbm4b:s6+s2] =	stream.linear.scatter [tilespmem:s17], [sflag:$0x7], $0x4000, $0x38;
	[tilespmem:$0x1A480] =	vst v63  }
0x50: {  	_ =	swait.ge [sflag:s26], $0x4000  }
0x51: {  	[sflag:s26] =	ssyncset.done $0x0  }
0x52: {  	s20 =	sadd.s32 $0xFFFFF000, s12;
	[sflag:s26] =	ssyncadd.s32 $0xFFFFC000  }
0x53: {  	[hbm4b:s20+s2] =	stream.linear.scatter [tilespmem:s19], [sflag:$0x8], $0x4000, $0x38;
	[tilespmem:$0x1A480] =	vst v63  }
0x54: {  	_ =	swait.ge [sflag:s28], $0x4000  }
0x55: {  	[sflag:s28] =	ssyncset.done $0x0  }
0x56: {  	s22 =	sadd.s32 $0xFFFFF800, s12;
	[sflag:s28] =	ssyncadd.s32 $0xFFFFC000  }
0x57: {  	[hbm4b:s22+s2] =	stream.linear.scatter [tilespmem:s21], [sflag:$0x9], $0x4000, $0x38;
	[tilespmem:$0x1A480] =	vst v63  }
0x58: {  	_ =	swait.ge [sflag:s29], $0x4000  }
0x59: {  	[sflag:s29] =	ssyncset.done $0x0  }
0x5a: {  	[sflag:s29] =	ssyncadd.s32 $0xFFFFC000  }
0x5b: {  	[hbm4b:s12+s2] =	stream.linear.scatter [tilespmem:s23], [sflag:$0xA], $0x4000, $0x38;
	[tilespmem:$0x1A480] =	vst v63  }
0x5c: {  	_ =	swait.ge [sflag:s30], $0x4000  }
0x5d: {  	[sflag:s30] =	ssyncset.done $0x0  }
0x5e: {  	s5 =	simm.s32 $0x280;
	[sflag:s30] =	ssyncadd.s32 $0xFFFFC000  }
0x5f: {  	[tilespmem:s16], [sflag:$0x1] =	stream.indirect.gather [hbm4b:s3+s15], $0x80, s5, s15, $0xb8;
	[tilespmem:$0x1A480] =	vst v63  }
0x60: {  	_ =	swait.ge [sflag:s31], $0x4000  }
0x61: {  	[sflag:s31] =	ssyncset.done $0x0  }
0x62: {  	s6 =	simm.s32 $0x300;
	[sflag:s31] =	ssyncadd.s32 $0xFFFFC000  }
0x63: {  	[tilespmem:s17], [sflag:$0x2] =	stream.indirect.gather [hbm4b:s3+s15], $0x80, s6, s15, $0xb8;
	[tilespmem:$0x1A480] =	vst v63  }
0x64: {  	_ =	swait.ge [sflag:s1], $0x4000  }
0x65: {  	[sflag:s1] =	ssyncset.done $0x0  }
0x66: {  	s20 =	simm.s32 $0x380;
	[sflag:s1] =	ssyncadd.s32 $0xFFFFC000  }
0x67: {  	[tilespmem:s19], [sflag:$0x3] =	stream.indirect.gather [hbm4b:s3+s15], $0x80, s20, s15, $0xb8;
	[tilespmem:$0x1A480] =	vst v63  }
0x68: {  	_ =	swait.ge [sflag:s0], $0x4000  }
0x69: {  	[sflag:s0] =	ssyncset.done $0x0  }
0x6a: {  	s22 =	simm.s32 $0x400;
	[sflag:s0] =	ssyncadd.s32 $0xFFFFC000  }
0x6b: {  	[tilespmem:s21], [sflag:$0x4] =	stream.indirect.gather [hbm4b:s3+s15], $0x80, s22, s15, $0xb8;
	[tilespmem:$0x1A480] =	vst v63  }
0x6c: {  	_ =	swait.ge [sflag:s14], $0x4000  }
0x6d: {  	s4 =	simm.s32 $0x480;
	[sflag:s14] =	ssyncset.done $0x0  }
0x6e: {  	s20 =	simm.s32 $0xA00;
	s22 =	sadd.s32 $0x2800, s12;
	[sflag:s14] =	ssyncadd.s32 $0xFFFFC000  }
.LBB2_4:
0x6f: {  	[tilespmem:s23], [sflag:$0x5] =	stream.indirect.gather [hbm4b:s3+s15], $0x80, s4, s15, $0xb8;
	[tilespmem:$0x1A480] =	vst v63  }
0x70: {  	s4 =	smov.u32 s20  }
0x71: {  	p0 =	sne.s32 s20, $0x17C00;
	s20 =	sadd.s32 $0xA00, s20;
	_ =	swait.ge [sflag:s24], $0x4000  }
0x72: {  	[sflag:s24] =	ssyncset.done $0x0  }
0x73: {  	s5 =	sadd.s32 $0xFFFFE000, s22;
	[sflag:s24] =	ssyncadd.s32 $0xFFFFC000  }
0x74: {  	[hbm4b:s5+s2] =	stream.linear.scatter [tilespmem:s16], [sflag:$0x6], $0x4000, $0x38;
	[tilespmem:$0x1A480] =	vst v63  }
0x75: {  	_ =	swait.ge [sflag:s25], $0x4000  }
0x76: {  	[sflag:s25] =	ssyncset.done $0x0  }
0x77: {  	s5 =	sadd.s32 $0xFFFFE800, s22;
	[sflag:s25] =	ssyncadd.s32 $0xFFFFC000  }
0x78: {  	[hbm4b:s5+s2] =	stream.linear.scatter [tilespmem:s17], [sflag:$0x7], $0x4000, $0x38;
	[tilespmem:$0x1A480] =	vst v63  }
0x79: {  	_ =	swait.ge [sflag:s26], $0x4000  }
0x7a: {  	[sflag:s26] =	ssyncset.done $0x0  }
0x7b: {  	s5 =	sadd.s32 $0xFFFFF000, s22;
	[sflag:s26] =	ssyncadd.s32 $0xFFFFC000  }
0x7c: {  	[hbm4b:s5+s2] =	stream.linear.scatter [tilespmem:s19], [sflag:$0x8], $0x4000, $0x38;
	[tilespmem:$0x1A480] =	vst v63  }
0x7d: {  	_ =	swait.ge [sflag:s28], $0x4000  }
0x7e: {  	[sflag:s28] =	ssyncset.done $0x0  }
0x7f: {  	s5 =	sadd.s32 $0xFFFFF800, s22;
	[sflag:s28] =	ssyncadd.s32 $0xFFFFC000  }
0x80: {  	[hbm4b:s5+s2] =	stream.linear.scatter [tilespmem:s21], [sflag:$0x9], $0x4000, $0x38;
	[tilespmem:$0x1A480] =	vst v63  }
0x81: {  	_ =	swait.ge [sflag:s29], $0x4000  }
0x82: {  	[sflag:s29] =	ssyncset.done $0x0  }
0x83: {  	[sflag:s29] =	ssyncadd.s32 $0xFFFFC000  }
0x84: {  	[hbm4b:s22+s2] =	stream.linear.scatter [tilespmem:s23], [sflag:$0xA], $0x4000, $0x38;
	[tilespmem:$0x1A480] =	vst v63  }
0x85: {  	_ =	swait.ge [sflag:s30], $0x4000  }
0x86: {  	s4 =	sshra.s32 s4, $0x2;
	[sflag:s30] =	ssyncset.done $0x0  }
0x87: {  	s5 =	sadd.s32 $0x280, s4;
	[sflag:s30] =	ssyncadd.s32 $0xFFFFC000  }
0x88: {  	[tilespmem:s16], [sflag:$0x1] =	stream.indirect.gather [hbm4b:s3+s15], $0x80, s5, s15, $0xb8;
	[tilespmem:$0x1A480] =	vst v63  }
0x89: {  	_ =	swait.ge [sflag:s31], $0x4000  }
0x8a: {  	[sflag:s31] =	ssyncset.done $0x0  }
0x8b: {  	s5 =	sadd.s32 $0x300, s4;
	[sflag:s31] =	ssyncadd.s32 $0xFFFFC000  }
0x8c: {  	[tilespmem:s17], [sflag:$0x2] =	stream.indirect.gather [hbm4b:s3+s15], $0x80, s5, s15, $0xb8;
	[tilespmem:$0x1A480] =	vst v63  }
0x8d: {  	_ =	swait.ge [sflag:s1], $0x4000  }
0x8e: {  	[sflag:s1] =	ssyncset.done $0x0  }
0x8f: {  	s5 =	sadd.s32 $0x380, s4;
	[sflag:s1] =	ssyncadd.s32 $0xFFFFC000  }
0x90: {  	[tilespmem:s19], [sflag:$0x3] =	stream.indirect.gather [hbm4b:s3+s15], $0x80, s5, s15, $0xb8;
	[tilespmem:$0x1A480] =	vst v63  }
0x91: {  	_ =	swait.ge [sflag:s0], $0x4000  }
0x92: {  	[sflag:s0] =	ssyncset.done $0x0  }
.Ltmp1:
0x93: {  	s5 =	sadd.s32 $0x400, s4;
	[sflag:s0] =	ssyncadd.s32 $0xFFFFC000;
	(pc) =	sbr.rel @p0 .LBB2_4-.Ltmp1, $4  }
0x94: {  	[tilespmem:s21], [sflag:$0x4] =	stream.indirect.gather [hbm4b:s3+s15], $0x80, s5, s15, $0xb8;
	[tilespmem:$0x1A480] =	vst v63  }
0x95: {  	_ =	swait.ge [sflag:s14], $0x4000  }
0x96: {  	[sflag:s14] =	ssyncset.done $0x0  }
0x97: {  	s22 =	sadd.s32 $0x2800, s22;
	s4 =	sadd.s32 $0x480, s4;
	[sflag:s14] =	ssyncadd.s32 $0xFFFFC000  }
0x98: {  	[tilespmem:s23], [sflag:$0x5] =	stream.indirect.gather [hbm4b:s3+s15], $0x80, s4, s15, $0xb8;
	[tilespmem:$0x1A480] =	vst v63  }
0x99: {  	_ =	swait.ge [sflag:s24], $0x4000  }
0x9a: {  	[sflag:s24] =	ssyncset.done $0x0  }
0x9b: {  	s22 =	rddreg [dreg:$0x6];
	[sflag:s24] =	ssyncadd.s32 $0xFFFFC000  }
0x9c: {  	[hbm4b:s22+s2] =	stream.linear.scatter [tilespmem:s16], [sflag:$0x6], $0x4000, $0x38;
	[tilespmem:$0x1A480] =	vst v63  }
0x9d: {  	_ =	swait.ge [sflag:s25], $0x4000  }
0x9e: {  	[sflag:s25] =	ssyncset.done $0x0  }
0x9f: {  	[sflag:s25] =	ssyncadd.s32 $0xFFFFC000  }
0xa0: {  	[hbm4b:s7+s2] =	stream.linear.scatter [tilespmem:s17], [sflag:$0x7], $0x4000, $0x38;
	[tilespmem:$0x1A480] =	vst v63  }
0xa1: {  	_ =	swait.ge [sflag:s26], $0x4000  }
0xa2: {  	[sflag:s26] =	ssyncset.done $0x0  }
0xa3: {  	[sflag:s26] =	ssyncadd.s32 $0xFFFFC000  }
0xa4: {  	[hbm4b:s8+s2] =	stream.linear.scatter [tilespmem:s19], [sflag:$0x8], $0x4000, $0x38;
	[tilespmem:$0x1A480] =	vst v63  }
0xa5: {  	_ =	swait.ge [sflag:s28], $0x4000  }
0xa6: {  	[sflag:s28] =	ssyncset.done $0x0  }
0xa7: {  	[sflag:s28] =	ssyncadd.s32 $0xFFFFC000  }
0xa8: {  	[hbm4b:s9+s2] =	stream.linear.scatter [tilespmem:s21], [sflag:$0x9], $0x4000, $0x38;
	[tilespmem:$0x1A480] =	vst v63  }
0xa9: {  	_ =	swait.ge [sflag:s29], $0x4000  }
0xaa: {  	[sflag:s29] =	ssyncset.done $0x0  }
0xab: {  	[sflag:s29] =	ssyncadd.s32 $0xFFFFC000  }
0xac: {  	[hbm4b:s10+s2] =	stream.linear.scatter [tilespmem:s23], [sflag:$0xA], $0x4000, $0x38;
	[tilespmem:$0x1A480] =	vst v63  }
0xad: {  	_ =	swait.ge [sflag:s30], $0x4000  }
0xae: {  	[sflag:s30] =	ssyncset.done $0x0  }
0xaf: {  	[sflag:s30] =	ssyncadd.s32 $0xFFFFC000  }
0xb0: {  	_ =	swait.ge [sflag:s31], $0x4000  }
0xb1: {  	[sflag:s31] =	ssyncset.done $0x0  }
0xb2: {  	[sflag:s31] =	ssyncadd.s32 $0xFFFFC000  }
0xb3: {  	_ =	swait.ge [sflag:s1], $0x4000  }
0xb4: {  	[sflag:s1] =	ssyncset.done $0x0  }
0xb5: {  	s18 =	sadd.s32 $0x1, s18;
	[sflag:s1] =	ssyncadd.s32 $0xFFFFC000  }
0xb6: {  	p0 =	sne.s32 s18, s11;
	_ =	swait.ge [sflag:s0], $0x4000  }
.Ltmp2:
0xb7: {  	[sflag:s0] =	ssyncset.done $0x0;
	(pc) =	sbr.rel @p0 .LBB2_1-.Ltmp2, $4  }
0xb8: {  	[sflag:s0] =	ssyncadd.s32 $0xFFFFC000  }
0xb9: {  	_ =	swait.ge [sflag:s14], $0x4000  }
0xba: {  	[sflag:s14] =	ssyncset.done $0x0  }
0xbb: {  	[sflag:s14] =	ssyncadd.s32 $0xFFFFC000  }
0xbc: {  	_ =	sfence.sel $0x180000  }
0xbd: {  	[bflag:$0x0] =	sbarrier.arrive $0xFFFF  }
0xbe: {  	_ =	strace $0x90000047  }
0xbf: {  	s0 =	stileid.u32;
	[bflag:$0x2] =	sbarrier.arrive $0xFFFF  }
0xc0: {  	p0 =	sne.s32 s0, $0x0;
	s0 =	rddreg [dreg:$0x3]  }
0xc1: {  	s0 =	sadd.s32 @!p0 $0x100000, s0  }
0xc2: {  	[sflag:s0] =	ssyncadd.tile.s32 @!p0 $0x1;
	_ =	shalt  }
.Lfunc_end2:
_tile_overlayer_lowered:
.L_overlay_start_2:
0xc3: {  	(tag) =	ssettag $0x2  }
0xc4: {  	s0 =	rddreg [dreg:$0x0];
	s2 =	stileid.u32  }
0xc5: {  	s1 =	rddreg [dreg:$0x1];
	p0 =	sne.s32 s2, $0x0  }
0xc6: {  	s3 =	rddreg [dreg:$0x2];
	[bflag:$0x3] =	sbarrier.arrive $0xFFFF;
	s2 =	simm.s32 @!p0 $0x1C0B  }
0xc7: {  	[timem:s3], [sflag:s2] =	dma.local @!p0 [hbm:s0], s1  }
0xc8: {  	s0 =	simm.s32 @!p0 $0xB  }
0xc9: {  	_ =	swait.ge @!p0 [sflag:s0], s1  }
0xca: {  	s1 =	ssub.s32 @!p0 $0x0, s1;
	[sflag:s0] =	ssyncset.done @!p0 $0x0  }
0xcb: {  	[sflag:s0] =	ssyncadd.s32 @!p0 s1  }
0xcc: {  	[bflag:$0x3] =	sbarrier.arrive $0xFFFF  }
0xcd: {  	_ =	shalt  }

</sc_bundles>
